<compile_context>
chip_gen: v7x
topology: tpu7x:2x2x1
jax: 0.10.2.dev20260603
libtpu: 0.0.44.dev20260713+nightly
codegen_flags: <defaults>
</compile_context>

<pallas_src>
import dataclasses
import functools

import jax
import jax.numpy as jnp
from jax import lax
from jax.experimental import pallas as pl
from jax.experimental.pallas import tpu as pltpu
from jax.experimental.pallas import tpu_sc as plsc

N_NODES = 10000
N_EDGES = 320000
DIM = 128

N_PAD = 10240
BLK = 2048
NROW = N_PAD // 128

NW = 32
EPW = N_EDGES // NW
C = 80
NCHUNK = EPW // C
ROWS_PER_SUB = N_PAD // 16
ZROWS = 80


def _prep_body(x_ref, w_ref, ab_ref, h_ref, hsd_ref, ms_ref, md_ref):
    i = pl.program_id(0)
    h = jnp.dot(x_ref[...], w_ref[...], preferred_element_type=jnp.float32)
    h_ref[...] = h
    hs = jnp.sum(h * ab_ref[0, :][None, :], axis=1)
    hd = jnp.sum(h * ab_ref[1, :][None, :], axis=1)
    hsd_ref[0] = hs.reshape(BLK // 128, 128)
    hsd_ref[1] = hd.reshape(BLK // 128, 128)

    @pl.when(i == 0)
    def _():
        ms_ref[...] = jnp.full((8, 128), -1e30, jnp.float32)
        md_ref[...] = jnp.full((8, 128), -1e30, jnp.float32)

    ms_ref[...] = jnp.maximum(ms_ref[...], jnp.max(hs))
    md_ref[...] = jnp.maximum(md_ref[...], jnp.max(hd))


def _prep(x_pad, W, ab):
    return pl.pallas_call(
        _prep_body,
        grid=(N_PAD // BLK,),
        in_specs=[
            pl.BlockSpec((BLK, DIM), lambda i: (i, 0)),
            pl.BlockSpec((DIM, DIM), lambda i: (0, 0)),
            pl.BlockSpec((2, DIM), lambda i: (0, 0)),
        ],
        out_specs=[
            pl.BlockSpec((BLK, DIM), lambda i: (i, 0)),
            pl.BlockSpec((2, BLK // 128, 128), lambda i: (0, i, 0)),
            pl.BlockSpec((8, 128), lambda i: (0, 0)),
            pl.BlockSpec((8, 128), lambda i: (0, 0)),
        ],
        out_shape=[
            jax.ShapeDtypeStruct((N_PAD, DIM), jnp.float32),
            jax.ShapeDtypeStruct((2, N_PAD // 128, 128), jnp.float32),
            jax.ShapeDtypeStruct((8, 128), jnp.float32),
            jax.ShapeDtypeStruct((8, 128), jnp.float32),
        ],
    )(x_pad, W, ab)


def _sc_aggregate(h, hsd_flat, ms, md, src, dst):
    mesh = plsc.VectorSubcoreMesh(core_axis_name="c", subcore_axis_name="s")
    cp = pltpu.CompilerParams()
    if "needs_layout_passes" in pltpu.CompilerParams.__dataclass_fields__:
        cp = dataclasses.replace(cp, needs_layout_passes=False)

    @functools.partial(
        pl.kernel,
        mesh=mesh,
        compiler_params=cp,
        out_type=[
            jax.ShapeDtypeStruct((2, N_PAD, DIM), jnp.float32),
            jax.ShapeDtypeStruct((NW, NROW, 128), jnp.float32),
        ],
        scratch_types=[
            pltpu.VMEM((N_PAD,), jnp.float32),
            pltpu.VMEM((N_PAD,), jnp.float32),
            pltpu.VMEM((16,), jnp.float32),
            pltpu.VMEM((16,), jnp.float32),
            pltpu.VMEM((C,), jnp.int32),
            pltpu.VMEM((C,), jnp.int32),
            pltpu.VMEM((C,), jnp.float32),
            pltpu.VMEM((C, DIM), jnp.float32),
            pltpu.VMEM((NROW, 128), jnp.float32),
            pltpu.VMEM_SHARED((N_PAD, DIM), jnp.float32),
            pltpu.SemaphoreType.DMA,
        ],
    )
    def body(h_hbm, hsd_hbm, ms_hbm, md_hbm, src_hbm, dst_hbm,
             num_hbm, den_hbm,
             hs_v, hd_v, m_v, t_v, src_v, dst_v, p_v, rows_v, den_v,
             acc_sh, sem):
        cid = lax.axis_index("c")
        sid = lax.axis_index("s")

        @pl.loop(0, C)
        def _zrow(r):
            for col in range(DIM // 16):
                rows_v[r, pl.ds(col * 16, 16)] = jnp.zeros((16,), jnp.float32)

        @pl.loop(0, NROW)
        def _zden(r):
            for col in range(128 // 16):
                den_v[r, pl.ds(col * 16, 16)] = jnp.zeros((16,), jnp.float32)

        row0 = sid * ROWS_PER_SUB

        @pl.loop(0, ROWS_PER_SUB // ZROWS)
        def _zacc(r):
            pltpu.sync_copy(rows_v, acc_sh.at[pl.ds(row0 + r * ZROWS, ZROWS)])

        pltpu.sync_copy(hsd_hbm.at[0], hs_v)
        pltpu.sync_copy(hsd_hbm.at[1], hd_v)
        pltpu.sync_copy(ms_hbm.at[0, pl.ds(0, 16)], m_v)
        pltpu.sync_copy(md_hbm.at[0, pl.ds(0, 16)], t_v)
        msum = m_v[...] + t_v[...]
        m_v[...] = jnp.where(msum >= 0.0, msum, msum * 0.2)

        plsc.subcore_barrier()

        base = (cid * 16 + sid) * EPW

        @pl.loop(0, NCHUNK)
        def _chunk(k):
            off = base + k * C
            pltpu.sync_copy(src_hbm.at[pl.ds(off, C)], src_v)
            pltpu.sync_copy(dst_hbm.at[pl.ds(off, C)], dst_v)
            pltpu.async_copy(h_hbm.at[src_v], rows_v, sem).wait()
            for g in range(C // 16):
                s16 = src_v[pl.ds(g * 16, 16)]
                d16 = dst_v[pl.ds(g * 16, 16)]
                v = plsc.load_gather(hs_v, [s16]) + plsc.load_gather(hd_v, [d16])
                e = jnp.where(v >= 0.0, v, v * 0.2)
                p16 = jnp.exp(e - m_v[...])
                p_v[pl.ds(g * 16, 16)] = p16
                plsc.addupdate_scatter(
                    den_v,
                    [lax.shift_right_logical(d16, 7), lax.bitwise_and(d16, 127)],
                    p16)

            @pl.loop(0, C)
            def _scale(i):
                iv = jnp.zeros((16,), jnp.int32) + i
                pb = plsc.load_gather(p_v, [iv])
                for col in range(DIM // 16):
                    rows_v[i, pl.ds(col * 16, 16)] = (
                        rows_v[i, pl.ds(col * 16, 16)] * pb)

            pltpu.sync_copy(rows_v, acc_sh.at[dst_v], add=True)

        wid = cid * 16 + sid
        pltpu.sync_copy(den_v, den_hbm.at[wid])

        plsc.subcore_barrier()

        @pl.loop(0, ROWS_PER_SUB // ZROWS)
        def _wb(r):
            roff = row0 + r * ZROWS
            pltpu.sync_copy(acc_sh.at[pl.ds(roff, ZROWS)],
                            num_hbm.at[cid, pl.ds(roff, ZROWS)])

    return body(h, hsd_flat, ms, md, src, dst)


def _den_reduce_body(denp_ref, den_ref):
    den_ref[...] = jnp.sum(denp_ref[...], axis=0)


def _den_reduce(den_parts):
    return pl.pallas_call(
        _den_reduce_body,
        grid=(NROW // 16,),
        in_specs=[pl.BlockSpec((NW, 16, 128), lambda i: (0, i, 0))],
        out_specs=pl.BlockSpec((16, 128), lambda i: (i, 0)),
        out_shape=jax.ShapeDtypeStruct((NROW, 128), jnp.float32),
    )(den_parts)


def _finish_body(num_ref, den_ref, out_ref):
    s = num_ref[0] + num_ref[1]
    den = jnp.maximum(den_ref[...], 1e-16)
    out_ref[...] = s / den


def _finish(num, den_col):
    return pl.pallas_call(
        _finish_body,
        grid=(N_PAD // BLK,),
        in_specs=[
            pl.BlockSpec((2, BLK, DIM), lambda i: (0, i, 0)),
            pl.BlockSpec((BLK, 1), lambda i: (i, 0)),
        ],
        out_specs=pl.BlockSpec((BLK, DIM), lambda i: (i, 0)),
        out_shape=jax.ShapeDtypeStruct((N_PAD, DIM), jnp.float32),
    )(num, den_col)


def kernel(x, edge_index, W, a_src, a_dst):
    src = edge_index[0].astype(jnp.int32)
    dst = edge_index[1].astype(jnp.int32)
    x_pad = jnp.pad(x, ((0, N_PAD - N_NODES), (0, 0)))
    ab = jnp.stack([a_src, a_dst])
    h, hsd, ms, md = _prep(x_pad, W, ab)
    hsd_flat = hsd.reshape(2, N_PAD)
    num, den_parts = _sc_aggregate(h, hsd_flat, ms, md, src, dst)
    den = _den_reduce(den_parts)
    out = _finish(num, den.reshape(N_PAD, 1))
    return out[:N_NODES]

# --- scband reference (transcript-rebuilt; emitter-appended) ---
"""Pipeline reference for scband-gatlayer-2379411882399 (READ-ONLY COPY).

The authoritative reference and input builder live on the scoring server;
editing this copy changes nothing except your own understanding.
"""

import jax, jax.numpy as jnp
import numpy as np

N_NODES = 10000
N_EDGES = 320000
IN_DIM = 128
OUT_DIM = 128

def setup_inputs(seed: int = 0) -> dict:
    key = jax.random.key(seed)
    k1, k2, k3, k4, k5 = jax.random.split(key, 5)
    x = jax.random.normal(k1, (N_NODES, IN_DIM), dtype=jnp.float32)
    edge_index = jax.random.randint(k2, (2, N_EDGES), 0, N_NODES, dtype=jnp.int64)
    W = jax.random.normal(k3, (IN_DIM, OUT_DIM), dtype=jnp.float32) * (1.0 / np.sqrt(IN_DIM))
    a_src = jax.random.normal(k4, (OUT_DIM,), dtype=jnp.float32) * (1.0 / np.sqrt(OUT_DIM))
    a_dst = jax.random.normal(k5, (OUT_DIM,), dtype=jnp.float32) * (1.0 / np.sqrt(OUT_DIM))
    return {"x": x, "edge_index": edge_index, "W": W, "a_src": a_src, "a_dst": a_dst}

def reference(x, edge_index, W, a_src, a_dst):
    # GAT layer (single head): h = xW; e_ij = LeakyReLU(a_src.h_j + a_dst.h_i);
    # alpha = softmax over incoming edges of node i; out_i = sum_j alpha_ij * h_j
    src = edge_index[0]
    dst = edge_index[1]
    h = x @ W  # [N, OUT_DIM]
    # per-edge attention logits (gather)
    e = jnp.take(h @ a_src, src, axis=0) + jnp.take(h @ a_dst, dst, axis=0)  # [E]
    e = jax.nn.leaky_relu(e, negative_slope=0.2)
    # segment softmax over destination nodes
    seg_max = jax.ops.segment_max(e, dst, num_segments=N_NODES)  # [N]
    seg_max = jnp.where(jnp.isfinite(seg_max), seg_max, 0.0)
    e_exp = jnp.exp(e - jnp.take(seg_max, dst, axis=0))  # [E]
    denom = jax.ops.segment_sum(e_exp, dst, num_segments=N_NODES)  # [N]
    alpha = e_exp / jnp.take(jnp.maximum(denom, 1e-16), dst, axis=0)  # [E]
    # weighted message aggregation (gather + scatter-add)
    msgs = alpha[:, None] * jnp.take(h, src, axis=0)  # [E, OUT_DIM]
    out = jax.ops.segment_sum(msgs, dst, num_segments=N_NODES)  # [N, OUT_DIM]
    return out

if __name__ == "__main__":
    import jax
    _d = setup_inputs()
    print(jax.jit(kernel)(*tuple(_d.values())))

</pallas_src>

<mosaic_0001>
#map = affine_map<(d0, d1) -> (0, 0)>
#map1 = affine_map<(d0, d1) -> (0)>
#map2 = affine_map<(d0, d1) -> (0, 0, 0)>
module attributes {stable_mosaic.version = 14 : i64} {
  func.func @body(%arg0: i32, %arg1: i32, %arg2: memref<10240x128xf32, #tpu.memory_space<hbm>>, %arg3: memref<2x10240xf32, #tpu.memory_space<hbm>>, %arg4: memref<8x128xf32, #tpu.memory_space<hbm>>, %arg5: memref<8x128xf32, #tpu.memory_space<hbm>>, %arg6: memref<320000xi32, #tpu.memory_space<hbm>>, %arg7: memref<320000xi32, #tpu.memory_space<hbm>>, %arg8: memref<2x10240x128xf32, #tpu.memory_space<hbm>>, %arg9: memref<32x80x128xf32, #tpu.memory_space<hbm>>, %arg10: memref<10240xf32, #tpu.memory_space<vmem>>, %arg11: memref<10240xf32, #tpu.memory_space<vmem>>, %arg12: memref<16xf32, #tpu.memory_space<vmem>>, %arg13: memref<16xf32, #tpu.memory_space<vmem>>, %arg14: memref<80xi32, #tpu.memory_space<vmem>>, %arg15: memref<80xi32, #tpu.memory_space<vmem>>, %arg16: memref<80xf32, #tpu.memory_space<vmem>>, %arg17: memref<80x128xf32, #tpu.memory_space<vmem>>, %arg18: memref<80x128xf32, #tpu.memory_space<vmem>>, %arg19: memref<10240x128xf32, #tpu.memory_space<vmem_shared>>, %arg20: memref<!tpu.dma_semaphore, #tpu.memory_space<semaphore_mem>>) attributes {dimension_semantics = [#tpu.dimension_semantics<core_parallel>, #tpu.dimension_semantics<subcore_parallel>], iteration_bounds = array<i64: 2, 16>, scalar_prefetch = 0 : i64, scratch_operands = 11 : i64, tpu.core_type = #tpu.core_type<sc_vector_subcore>, window_params = [{transform_indices = #map}, {transform_indices = #map}, {transform_indices = #map}, {transform_indices = #map}, {transform_indices = #map1}, {transform_indices = #map1}, {transform_indices = #map2}, {transform_indices = #map2}]} {
    %scan3A = arith.constant 0 : i32
    %scan3A_0 = arith.constant 80 : i32
    %scan3A_1 = arith.addi %scan3A, %scan3A_0 : i32
    %scan3A_2 = arith.constant 1 : i32
    scf.for %scan3A_46 = %scan3A to %scan3A_1 step %scan3A_2  : i32 {
      %mul3A_47 = arith.constant 1 : i32
      %mul3A_48 = arith.muli %scan3A_46, %mul3A_47 : i32
      %add3A_49 = arith.constant 0 : i32
      %add3A_50 = arith.addi %add3A_49, %mul3A_48 : i32
      %broadcast_in_dim3A = arith.constant 0.000000e+00 : f32
      %broadcast_in_dim3A_51 = vector.broadcast %broadcast_in_dim3A : f32 to vector<16xf32>
      %swap3A_52 = arith.index_cast %add3A_50 : i32 to index
      %swap3A_53 = arith.constant 0 : index
      %swap3A_54 = tpu.vector_load %arg17[%swap3A_52, %swap3A_53] {strides = array<i32>} : memref<80x128xf32, #tpu.memory_space<vmem>>, vector<16xf32>,
      tpu.vector_store %arg17[%swap3A_52, %swap3A_53], %broadcast_in_dim3A_51 {strides = array<i32>} : memref<80x128xf32, #tpu.memory_space<vmem>>, vector<16xf32>,
      %broadcast_in_dim3A_55 = arith.constant 0.000000e+00 : f32
      %broadcast_in_dim3A_56 = vector.broadcast %broadcast_in_dim3A_55 : f32 to vector<16xf32>
      %swap3A_57 = arith.index_cast %add3A_50 : i32 to index
      %swap3A_58 = arith.constant 16 : index
      %swap3A_59 = tpu.vector_load %arg17[%swap3A_57, %swap3A_58] {strides = array<i32>} : memref<80x128xf32, #tpu.memory_space<vmem>>, vector<16xf32>,
      tpu.vector_store %arg17[%swap3A_57, %swap3A_58], %broadcast_in_dim3A_56 {strides = array<i32>} : memref<80x128xf32, #tpu.memory_space<vmem>>, vector<16xf32>,
      %broadcast_in_dim3A_60 = arith.constant 0.000000e+00 : f32
      %broadcast_in_dim3A_61 = vector.broadcast %broadcast_in_dim3A_60 : f32 to vector<16xf32>
      %swap3A_62 = arith.index_cast %add3A_50 : i32 to index
      %swap3A_63 = arith.constant 32 : index
      %swap3A_64 = tpu.vector_load %arg17[%swap3A_62, %swap3A_63] {strides = array<i32>} : memref<80x128xf32, #tpu.memory_space<vmem>>, vector<16xf32>,
      tpu.vector_store %arg17[%swap3A_62, %swap3A_63], %broadcast_in_dim3A_61 {strides = array<i32>} : memref<80x128xf32, #tpu.memory_space<vmem>>, vector<16xf32>,
      %broadcast_in_dim3A_65 = arith.constant 0.000000e+00 : f32
      %broadcast_in_dim3A_66 = vector.broadcast %broadcast_in_dim3A_65 : f32 to vector<16xf32>
      %swap3A_67 = arith.index_cast %add3A_50 : i32 to index
      %swap3A_68 = arith.constant 48 : index
      %swap3A_69 = tpu.vector_load %arg17[%swap3A_67, %swap3A_68] {strides = array<i32>} : memref<80x128xf32, #tpu.memory_space<vmem>>, vector<16xf32>,
      tpu.vector_store %arg17[%swap3A_67, %swap3A_68], %broadcast_in_dim3A_66 {strides = array<i32>} : memref<80x128xf32, #tpu.memory_space<vmem>>, vector<16xf32>,
      %broadcast_in_dim3A_70 = arith.constant 0.000000e+00 : f32
      %broadcast_in_dim3A_71 = vector.broadcast %broadcast_in_dim3A_70 : f32 to vector<16xf32>
      %swap3A_72 = arith.index_cast %add3A_50 : i32 to index
      %swap3A_73 = arith.constant 64 : index
      %swap3A_74 = tpu.vector_load %arg17[%swap3A_72, %swap3A_73] {strides = array<i32>} : memref<80x128xf32, #tpu.memory_space<vmem>>, vector<16xf32>,
      tpu.vector_store %arg17[%swap3A_72, %swap3A_73], %broadcast_in_dim3A_71 {strides = array<i32>} : memref<80x128xf32, #tpu.memory_space<vmem>>, vector<16xf32>,
      %broadcast_in_dim3A_75 = arith.constant 0.000000e+00 : f32
      %broadcast_in_dim3A_76 = vector.broadcast %broadcast_in_dim3A_75 : f32 to vector<16xf32>
      %swap3A_77 = arith.index_cast %add3A_50 : i32 to index
      %swap3A_78 = arith.constant 80 : index
      %swap3A_79 = tpu.vector_load %arg17[%swap3A_77, %swap3A_78] {strides = array<i32>} : memref<80x128xf32, #tpu.memory_space<vmem>>, vector<16xf32>,
      tpu.vector_store %arg17[%swap3A_77, %swap3A_78], %broadcast_in_dim3A_76 {strides = array<i32>} : memref<80x128xf32, #tpu.memory_space<vmem>>, vector<16xf32>,
      %broadcast_in_dim3A_80 = arith.constant 0.000000e+00 : f32
      %broadcast_in_dim3A_81 = vector.broadcast %broadcast_in_dim3A_80 : f32 to vector<16xf32>
      %swap3A_82 = arith.index_cast %add3A_50 : i32 to index
      %swap3A_83 = arith.constant 96 : index
      %swap3A_84 = tpu.vector_load %arg17[%swap3A_82, %swap3A_83] {strides = array<i32>} : memref<80x128xf32, #tpu.memory_space<vmem>>, vector<16xf32>,
      tpu.vector_store %arg17[%swap3A_82, %swap3A_83], %broadcast_in_dim3A_81 {strides = array<i32>} : memref<80x128xf32, #tpu.memory_space<vmem>>, vector<16xf32>,
      %broadcast_in_dim3A_85 = arith.constant 0.000000e+00 : f32
      %broadcast_in_dim3A_86 = vector.broadcast %broadcast_in_dim3A_85 : f32 to vector<16xf32>
      %swap3A_87 = arith.index_cast %add3A_50 : i32 to index
      %swap3A_88 = arith.constant 112 : index
      %swap3A_89 = tpu.vector_load %arg17[%swap3A_87, %swap3A_88] {strides = array<i32>} : memref<80x128xf32, #tpu.memory_space<vmem>>, vector<16xf32>,
      tpu.vector_store %arg17[%swap3A_87, %swap3A_88], %broadcast_in_dim3A_86 {strides = array<i32>} : memref<80x128xf32, #tpu.memory_space<vmem>>, vector<16xf32>,
    }
    %scan3A_3 = arith.constant 80 : i32
    %scan3A_4 = arith.constant 0 : i32
    %scan3A_5 = arith.constant 80 : i32
    %scan3A_6 = arith.addi %scan3A_4, %scan3A_5 : i32
    %scan3A_7 = arith.constant 1 : i32
    scf.for %scan3A_46 = %scan3A_4 to %scan3A_6 step %scan3A_7  : i32 {
      %mul3A_47 = arith.constant 1 : i32
      %mul3A_48 = arith.muli %scan3A_46, %mul3A_47 : i32
      %add3A_49 = arith.constant 0 : i32
      %add3A_50 = arith.addi %add3A_49, %mul3A_48 : i32
      %broadcast_in_dim3A = arith.constant 0.000000e+00 : f32
      %broadcast_in_dim3A_51 = vector.broadcast %broadcast_in_dim3A : f32 to vector<16xf32>
      %swap3A_52 = arith.index_cast %add3A_50 : i32 to index
      %swap3A_53 = arith.constant 0 : index
      %swap3A_54 = tpu.vector_load %arg18[%swap3A_52, %swap3A_53] {strides = array<i32>} : memref<80x128xf32, #tpu.memory_space<vmem>>, vector<16xf32>,
      tpu.vector_store %arg18[%swap3A_52, %swap3A_53], %broadcast_in_dim3A_51 {strides = array<i32>} : memref<80x128xf32, #tpu.memory_space<vmem>>, vector<16xf32>,
      %broadcast_in_dim3A_55 = arith.constant 0.000000e+00 : f32
      %broadcast_in_dim3A_56 = vector.broadcast %broadcast_in_dim3A_55 : f32 to vector<16xf32>
      %swap3A_57 = arith.index_cast %add3A_50 : i32 to index
      %swap3A_58 = arith.constant 16 : index
      %swap3A_59 = tpu.vector_load %arg18[%swap3A_57, %swap3A_58] {strides = array<i32>} : memref<80x128xf32, #tpu.memory_space<vmem>>, vector<16xf32>,
      tpu.vector_store %arg18[%swap3A_57, %swap3A_58], %broadcast_in_dim3A_56 {strides = array<i32>} : memref<80x128xf32, #tpu.memory_space<vmem>>, vector<16xf32>,
      %broadcast_in_dim3A_60 = arith.constant 0.000000e+00 : f32
      %broadcast_in_dim3A_61 = vector.broadcast %broadcast_in_dim3A_60 : f32 to vector<16xf32>
      %swap3A_62 = arith.index_cast %add3A_50 : i32 to index
      %swap3A_63 = arith.constant 32 : index
      %swap3A_64 = tpu.vector_load %arg18[%swap3A_62, %swap3A_63] {strides = array<i32>} : memref<80x128xf32, #tpu.memory_space<vmem>>, vector<16xf32>,
      tpu.vector_store %arg18[%swap3A_62, %swap3A_63], %broadcast_in_dim3A_61 {strides = array<i32>} : memref<80x128xf32, #tpu.memory_space<vmem>>, vector<16xf32>,
      %broadcast_in_dim3A_65 = arith.constant 0.000000e+00 : f32
      %broadcast_in_dim3A_66 = vector.broadcast %broadcast_in_dim3A_65 : f32 to vector<16xf32>
      %swap3A_67 = arith.index_cast %add3A_50 : i32 to index
      %swap3A_68 = arith.constant 48 : index
      %swap3A_69 = tpu.vector_load %arg18[%swap3A_67, %swap3A_68] {strides = array<i32>} : memref<80x128xf32, #tpu.memory_space<vmem>>, vector<16xf32>,
      tpu.vector_store %arg18[%swap3A_67, %swap3A_68], %broadcast_in_dim3A_66 {strides = array<i32>} : memref<80x128xf32, #tpu.memory_space<vmem>>, vector<16xf32>,
      %broadcast_in_dim3A_70 = arith.constant 0.000000e+00 : f32
      %broadcast_in_dim3A_71 = vector.broadcast %broadcast_in_dim3A_70 : f32 to vector<16xf32>
      %swap3A_72 = arith.index_cast %add3A_50 : i32 to index
      %swap3A_73 = arith.constant 64 : index
      %swap3A_74 = tpu.vector_load %arg18[%swap3A_72, %swap3A_73] {strides = array<i32>} : memref<80x128xf32, #tpu.memory_space<vmem>>, vector<16xf32>,
      tpu.vector_store %arg18[%swap3A_72, %swap3A_73], %broadcast_in_dim3A_71 {strides = array<i32>} : memref<80x128xf32, #tpu.memory_space<vmem>>, vector<16xf32>,
      %broadcast_in_dim3A_75 = arith.constant 0.000000e+00 : f32
      %broadcast_in_dim3A_76 = vector.broadcast %broadcast_in_dim3A_75 : f32 to vector<16xf32>
      %swap3A_77 = arith.index_cast %add3A_50 : i32 to index
      %swap3A_78 = arith.constant 80 : index
      %swap3A_79 = tpu.vector_load %arg18[%swap3A_77, %swap3A_78] {strides = array<i32>} : memref<80x128xf32, #tpu.memory_space<vmem>>, vector<16xf32>,
      tpu.vector_store %arg18[%swap3A_77, %swap3A_78], %broadcast_in_dim3A_76 {strides = array<i32>} : memref<80x128xf32, #tpu.memory_space<vmem>>, vector<16xf32>,
      %broadcast_in_dim3A_80 = arith.constant 0.000000e+00 : f32
      %broadcast_in_dim3A_81 = vector.broadcast %broadcast_in_dim3A_80 : f32 to vector<16xf32>
      %swap3A_82 = arith.index_cast %add3A_50 : i32 to index
      %swap3A_83 = arith.constant 96 : index
      %swap3A_84 = tpu.vector_load %arg18[%swap3A_82, %swap3A_83] {strides = array<i32>} : memref<80x128xf32, #tpu.memory_space<vmem>>, vector<16xf32>,
      tpu.vector_store %arg18[%swap3A_82, %swap3A_83], %broadcast_in_dim3A_81 {strides = array<i32>} : memref<80x128xf32, #tpu.memory_space<vmem>>, vector<16xf32>,
      %broadcast_in_dim3A_85 = arith.constant 0.000000e+00 : f32
      %broadcast_in_dim3A_86 = vector.broadcast %broadcast_in_dim3A_85 : f32 to vector<16xf32>
      %swap3A_87 = arith.index_cast %add3A_50 : i32 to index
      %swap3A_88 = arith.constant 112 : index
      %swap3A_89 = tpu.vector_load %arg18[%swap3A_87, %swap3A_88] {strides = array<i32>} : memref<80x128xf32, #tpu.memory_space<vmem>>, vector<16xf32>,
      tpu.vector_store %arg18[%swap3A_87, %swap3A_88], %broadcast_in_dim3A_86 {strides = array<i32>} : memref<80x128xf32, #tpu.memory_space<vmem>>, vector<16xf32>,
    }
    %scan3A_8 = arith.constant 80 : i32
    %mul3A = arith.constant 640 : i32
    %mul3A_9 = arith.muli %arg1, %mul3A : i32
    %scan3A_10 = arith.constant 0 : i32
    %scan3A_11 = arith.constant 8 : i32
    %scan3A_12 = arith.addi %scan3A_10, %scan3A_11 : i32
    %scan3A_13 = arith.constant 1 : i32
    scf.for %scan3A_46 = %scan3A_10 to %scan3A_12 step %scan3A_13  : i32 {
      %mul3A_47 = arith.constant 1 : i32
      %mul3A_48 = arith.muli %scan3A_46, %mul3A_47 : i32
      %add3A_49 = arith.constant 0 : i32
      %add3A_50 = arith.addi %add3A_49, %mul3A_48 : i32
      %mul3A_51 = arith.constant 80 : i32
      %mul3A_52 = arith.muli %add3A_50, %mul3A_51 : i32
      %add3A_53 = arith.addi %mul3A_9, %mul3A_52 : i32
      "tpu.region"() ({
        %run_scoped3A_54 = tpu.sem_alloc : memref<!tpu.dma_semaphore, #tpu.memory_space<semaphore_mem>>
        %dma_start3A = arith.constant 0 : i32
        %dma_start3A_55 = tpu.memref_slice %arg19[%add3A_53, %dma_start3A] : memref<10240x128xf32, #tpu.memory_space<vmem_shared>> -> memref<80x128xf32, #tpu.memory_space<vmem_shared>>
        %dma_start3A_56 = arith.constant 0 : i32
        %dma_start3A_57 = tpu.memref_slice %arg19[%add3A_53, %dma_start3A_56] : memref<10240x128xf32, #tpu.memory_space<vmem_shared>> -> memref<80x128xf32, #tpu.memory_space<vmem_shared>>
        tpu.enqueue_dma source(%arg17 : memref<80x128xf32, #tpu.memory_space<vmem>>) target(%dma_start3A_57 : memref<80x128xf32, #tpu.memory_space<vmem_shared>>) target_semaphore(%run_scoped3A_54 : memref<!tpu.dma_semaphore, #tpu.memory_space<semaphore_mem>>)
        %dma_wait3A = arith.constant 0 : i32
        %dma_wait3A_58 = tpu.memref_slice %arg19[%add3A_53, %dma_wait3A] : memref<10240x128xf32, #tpu.memory_space<vmem_shared>> -> memref<80x128xf32, #tpu.memory_space<vmem_shared>>
        %dma_wait3A_59 = arith.constant 0 : i32
        %dma_wait3A_60 = tpu.memref_slice %arg19[%add3A_53, %dma_wait3A_59] : memref<10240x128xf32, #tpu.memory_space<vmem_shared>> -> memref<80x128xf32, #tpu.memory_space<vmem_shared>>
        tpu.wait_dma2 semaphore(%run_scoped3A_54 : memref<!tpu.dma_semaphore, #tpu.memory_space<semaphore_mem>>) src(%arg17 : memref<80x128xf32, #tpu.memory_space<vmem>>) dst(%dma_wait3A_60 : memref<80x128xf32, #tpu.memory_space<vmem_shared>>)
        tpu.yield
      }) : () -> ()
    }
    %scan3A_14 = arith.constant 8 : i32
    %run_scoped3A = arith.constant 0 : i32
    "tpu.region"() ({
      %run_scoped3A_46 = tpu.sem_alloc : memref<!tpu.dma_semaphore, #tpu.memory_space<semaphore_mem>>
      %dma_start3A = arith.constant 0 : i32
      %dma_start3A_47 = tpu.memref_slice %arg3[%run_scoped3A, %dma_start3A] : memref<2x10240xf32, #tpu.memory_space<hbm>> -> memref<1x10240xf32, #tpu.memory_space<hbm>>
      %dma_start3A_48 = tpu.memref_squeeze %dma_start3A_47 : memref<1x10240xf32, #tpu.memory_space<hbm>> -> memref<10240xf32, #tpu.memory_space<hbm>>
      %dma_start3A_49 = arith.constant 0 : i32
      %dma_start3A_50 = tpu.memref_slice %arg3[%run_scoped3A, %dma_start3A_49] : memref<2x10240xf32, #tpu.memory_space<hbm>> -> memref<1x10240xf32, #tpu.memory_space<hbm>>
      %dma_start3A_51 = tpu.memref_squeeze %dma_start3A_50 : memref<1x10240xf32, #tpu.memory_space<hbm>> -> memref<10240xf32, #tpu.memory_space<hbm>>
      tpu.enqueue_dma source(%dma_start3A_51 : memref<10240xf32, #tpu.memory_space<hbm>>) target(%arg10 : memref<10240xf32, #tpu.memory_space<vmem>>) target_semaphore(%run_scoped3A_46 : memref<!tpu.dma_semaphore, #tpu.memory_space<semaphore_mem>>)
      %dma_wait3A = arith.constant 0 : i32
      %dma_wait3A_52 = tpu.memref_slice %arg3[%run_scoped3A, %dma_wait3A] : memref<2x10240xf32, #tpu.memory_space<hbm>> -> memref<1x10240xf32, #tpu.memory_space<hbm>>
      %dma_wait3A_53 = tpu.memref_squeeze %dma_wait3A_52 : memref<1x10240xf32, #tpu.memory_space<hbm>> -> memref<10240xf32, #tpu.memory_space<hbm>>
      %dma_wait3A_54 = arith.constant 0 : i32
      %dma_wait3A_55 = tpu.memref_slice %arg3[%run_scoped3A, %dma_wait3A_54] : memref<2x10240xf32, #tpu.memory_space<hbm>> -> memref<1x10240xf32, #tpu.memory_space<hbm>>
      %dma_wait3A_56 = tpu.memref_squeeze %dma_wait3A_55 : memref<1x10240xf32, #tpu.memory_space<hbm>> -> memref<10240xf32, #tpu.memory_space<hbm>>
      tpu.wait_dma2 semaphore(%run_scoped3A_46 : memref<!tpu.dma_semaphore, #tpu.memory_space<semaphore_mem>>) src(%dma_wait3A_56 : memref<10240xf32, #tpu.memory_space<hbm>>) dst(%arg10 : memref<10240xf32, #tpu.memory_space<vmem>>)
      tpu.yield
    }) : () -> ()
    %run_scoped3A_15 = arith.constant 1 : i32
    "tpu.region"() ({
      %run_scoped3A_46 = tpu.sem_alloc : memref<!tpu.dma_semaphore, #tpu.memory_space<semaphore_mem>>
      %dma_start3A = arith.constant 0 : i32
      %dma_start3A_47 = tpu.memref_slice %arg3[%run_scoped3A_15, %dma_start3A] : memref<2x10240xf32, #tpu.memory_space<hbm>> -> memref<1x10240xf32, #tpu.memory_space<hbm>>
      %dma_start3A_48 = tpu.memref_squeeze %dma_start3A_47 : memref<1x10240xf32, #tpu.memory_space<hbm>> -> memref<10240xf32, #tpu.memory_space<hbm>>
      %dma_start3A_49 = arith.constant 0 : i32
      %dma_start3A_50 = tpu.memref_slice %arg3[%run_scoped3A_15, %dma_start3A_49] : memref<2x10240xf32, #tpu.memory_space<hbm>> -> memref<1x10240xf32, #tpu.memory_space<hbm>>
      %dma_start3A_51 = tpu.memref_squeeze %dma_start3A_50 : memref<1x10240xf32, #tpu.memory_space<hbm>> -> memref<10240xf32, #tpu.memory_space<hbm>>
      tpu.enqueue_dma source(%dma_start3A_51 : memref<10240xf32, #tpu.memory_space<hbm>>) target(%arg11 : memref<10240xf32, #tpu.memory_space<vmem>>) target_semaphore(%run_scoped3A_46 : memref<!tpu.dma_semaphore, #tpu.memory_space<semaphore_mem>>)
      %dma_wait3A = arith.constant 0 : i32
      %dma_wait3A_52 = tpu.memref_slice %arg3[%run_scoped3A_15, %dma_wait3A] : memref<2x10240xf32, #tpu.memory_space<hbm>> -> memref<1x10240xf32, #tpu.memory_space<hbm>>
      %dma_wait3A_53 = tpu.memref_squeeze %dma_wait3A_52 : memref<1x10240xf32, #tpu.memory_space<hbm>> -> memref<10240xf32, #tpu.memory_space<hbm>>
      %dma_wait3A_54 = arith.constant 0 : i32
      %dma_wait3A_55 = tpu.memref_slice %arg3[%run_scoped3A_15, %dma_wait3A_54] : memref<2x10240xf32, #tpu.memory_space<hbm>> -> memref<1x10240xf32, #tpu.memory_space<hbm>>
      %dma_wait3A_56 = tpu.memref_squeeze %dma_wait3A_55 : memref<1x10240xf32, #tpu.memory_space<hbm>> -> memref<10240xf32, #tpu.memory_space<hbm>>
      tpu.wait_dma2 semaphore(%run_scoped3A_46 : memref<!tpu.dma_semaphore, #tpu.memory_space<semaphore_mem>>) src(%dma_wait3A_56 : memref<10240xf32, #tpu.memory_space<hbm>>) dst(%arg11 : memref<10240xf32, #tpu.memory_space<vmem>>)
      tpu.yield
    }) : () -> ()
    %run_scoped3A_16 = arith.constant 0 : i32
    "tpu.region"() ({
      %run_scoped3A_46 = tpu.sem_alloc : memref<!tpu.dma_semaphore, #tpu.memory_space<semaphore_mem>>
      %dma_start3A = arith.constant 0 : i32
      %dma_start3A_47 = tpu.memref_slice %arg4[%run_scoped3A_16, %dma_start3A] : memref<8x128xf32, #tpu.memory_space<hbm>> -> memref<1x16xf32, #tpu.memory_space<hbm>>
      %dma_start3A_48 = tpu.memref_squeeze %dma_start3A_47 : memref<1x16xf32, #tpu.memory_space<hbm>> -> memref<16xf32, #tpu.memory_space<hbm>>
      %dma_start3A_49 = arith.constant 0 : i32
      %dma_start3A_50 = tpu.memref_slice %arg4[%run_scoped3A_16, %dma_start3A_49] : memref<8x128xf32, #tpu.memory_space<hbm>> -> memref<1x16xf32, #tpu.memory_space<hbm>>
      %dma_start3A_51 = tpu.memref_squeeze %dma_start3A_50 : memref<1x16xf32, #tpu.memory_space<hbm>> -> memref<16xf32, #tpu.memory_space<hbm>>
      tpu.enqueue_dma source(%dma_start3A_51 : memref<16xf32, #tpu.memory_space<hbm>>) target(%arg12 : memref<16xf32, #tpu.memory_space<vmem>>) target_semaphore(%run_scoped3A_46 : memref<!tpu.dma_semaphore, #tpu.memory_space<semaphore_mem>>)
      %dma_wait3A = arith.constant 0 : i32
      %dma_wait3A_52 = tpu.memref_slice %arg4[%run_scoped3A_16, %dma_wait3A] : memref<8x128xf32, #tpu.memory_space<hbm>> -> memref<1x16xf32, #tpu.memory_space<hbm>>
      %dma_wait3A_53 = tpu.memref_squeeze %dma_wait3A_52 : memref<1x16xf32, #tpu.memory_space<hbm>> -> memref<16xf32, #tpu.memory_space<hbm>>
      %dma_wait3A_54 = arith.constant 0 : i32
      %dma_wait3A_55 = tpu.memref_slice %arg4[%run_scoped3A_16, %dma_wait3A_54] : memref<8x128xf32, #tpu.memory_space<hbm>> -> memref<1x16xf32, #tpu.memory_space<hbm>>
      %dma_wait3A_56 = tpu.memref_squeeze %dma_wait3A_55 : memref<1x16xf32, #tpu.memory_space<hbm>> -> memref<16xf32, #tpu.memory_space<hbm>>
      tpu.wait_dma2 semaphore(%run_scoped3A_46 : memref<!tpu.dma_semaphore, #tpu.memory_space<semaphore_mem>>) src(%dma_wait3A_56 : memref<16xf32, #tpu.memory_space<hbm>>) dst(%arg12 : memref<16xf32, #tpu.memory_space<vmem>>)
      tpu.yield
    }) : () -> ()
    %run_scoped3A_17 = arith.constant 0 : i32
    "tpu.region"() ({
      %run_scoped3A_46 = tpu.sem_alloc : memref<!tpu.dma_semaphore, #tpu.memory_space<semaphore_mem>>
      %dma_start3A = arith.constant 0 : i32
      %dma_start3A_47 = tpu.memref_slice %arg5[%run_scoped3A_17, %dma_start3A] : memref<8x128xf32, #tpu.memory_space<hbm>> -> memref<1x16xf32, #tpu.memory_space<hbm>>
      %dma_start3A_48 = tpu.memref_squeeze %dma_start3A_47 : memref<1x16xf32, #tpu.memory_space<hbm>> -> memref<16xf32, #tpu.memory_space<hbm>>
      %dma_start3A_49 = arith.constant 0 : i32
      %dma_start3A_50 = tpu.memref_slice %arg5[%run_scoped3A_17, %dma_start3A_49] : memref<8x128xf32, #tpu.memory_space<hbm>> -> memref<1x16xf32, #tpu.memory_space<hbm>>
      %dma_start3A_51 = tpu.memref_squeeze %dma_start3A_50 : memref<1x16xf32, #tpu.memory_space<hbm>> -> memref<16xf32, #tpu.memory_space<hbm>>
      tpu.enqueue_dma source(%dma_start3A_51 : memref<16xf32, #tpu.memory_space<hbm>>) target(%arg13 : memref<16xf32, #tpu.memory_space<vmem>>) target_semaphore(%run_scoped3A_46 : memref<!tpu.dma_semaphore, #tpu.memory_space<semaphore_mem>>)
      %dma_wait3A = arith.constant 0 : i32
      %dma_wait3A_52 = tpu.memref_slice %arg5[%run_scoped3A_17, %dma_wait3A] : memref<8x128xf32, #tpu.memory_space<hbm>> -> memref<1x16xf32, #tpu.memory_space<hbm>>
      %dma_wait3A_53 = tpu.memref_squeeze %dma_wait3A_52 : memref<1x16xf32, #tpu.memory_space<hbm>> -> memref<16xf32, #tpu.memory_space<hbm>>
      %dma_wait3A_54 = arith.constant 0 : i32
      %dma_wait3A_55 = tpu.memref_slice %arg5[%run_scoped3A_17, %dma_wait3A_54] : memref<8x128xf32, #tpu.memory_space<hbm>> -> memref<1x16xf32, #tpu.memory_space<hbm>>
      %dma_wait3A_56 = tpu.memref_squeeze %dma_wait3A_55 : memref<1x16xf32, #tpu.memory_space<hbm>> -> memref<16xf32, #tpu.memory_space<hbm>>
      tpu.wait_dma2 semaphore(%run_scoped3A_46 : memref<!tpu.dma_semaphore, #tpu.memory_space<semaphore_mem>>) src(%dma_wait3A_56 : memref<16xf32, #tpu.memory_space<hbm>>) dst(%arg13 : memref<16xf32, #tpu.memory_space<vmem>>)
      tpu.yield
    }) : () -> ()
    %get3A = arith.constant 0 : index
    %get3A_18 = tpu.vector_load %arg12[%get3A] {strides = array<i32>} : memref<16xf32, #tpu.memory_space<vmem>>, vector<16xf32>,
    %get3A_19 = arith.constant 0 : index
    %get3A_20 = tpu.vector_load %arg13[%get3A_19] {strides = array<i32>} : memref<16xf32, #tpu.memory_space<vmem>>, vector<16xf32>,
    %add3A = arith.addf %get3A_18, %get3A_20 : vector<16xf32>
    %ge3A = arith.constant 0.000000e+00 : f32
    %ge3A_21 = vector.broadcast %ge3A : f32 to vector<16xf32>
    %ge3A_22 = arith.cmpf oge, %add3A, %ge3A_21 : vector<16xf32>
    %mul3A_23 = arith.constant 2.000000e-01 : f32
    %mul3A_24 = vector.broadcast %mul3A_23 : f32 to vector<16xf32>
    %mul3A_25 = arith.mulf %add3A, %mul3A_24 : vector<16xf32>
    %select_n3A = arith.select %ge3A_22, %add3A, %mul3A_25 : vector<16xi1>, vector<16xf32>
    %swap3A = arith.constant 0 : index
    %swap3A_26 = tpu.vector_load %arg12[%swap3A] {strides = array<i32>} : memref<16xf32, #tpu.memory_space<vmem>>, vector<16xf32>,
    tpu.vector_store %arg12[%swap3A], %select_n3A {strides = array<i32>} : memref<16xf32, #tpu.memory_space<vmem>>, vector<16xf32>,
    %barrier3A = arith.constant 0 : index
    tpu.barrier barrier_id(%barrier3A)
    %mul3A_27 = arith.constant 16 : i32
    %mul3A_28 = arith.muli %arg0, %mul3A_27 : i32
    %add3A_29 = arith.addi %mul3A_28, %arg1 : i32
    %mul3A_30 = arith.constant 10000 : i32
    %mul3A_31 = arith.muli %add3A_29, %mul3A_30 : i32
    %scan3A_32 = arith.constant 0 : i32
    %scan3A_33 = arith.constant 125 : i32
    %scan3A_34 = arith.addi %scan3A_32, %scan3A_33 : i32
    %scan3A_35 = arith.constant 1 : i32
    scf.for %scan3A_46 = %scan3A_32 to %scan3A_34 step %scan3A_35  : i32 {
      %mul3A_47 = arith.constant 1 : i32
      %mul3A_48 = arith.muli %scan3A_46, %mul3A_47 : i32
      %add3A_49 = arith.constant 0 : i32
      %add3A_50 = arith.addi %add3A_49, %mul3A_48 : i32
      %mul3A_51 = arith.constant 80 : i32
      %mul3A_52 = arith.muli %add3A_50, %mul3A_51 : i32
      %add3A_53 = arith.addi %mul3A_31, %mul3A_52 : i32
      "tpu.region"() ({
        %run_scoped3A_188 = tpu.sem_alloc : memref<!tpu.dma_semaphore, #tpu.memory_space<semaphore_mem>>
        %dma_start3A_189 = tpu.memref_slice %arg6[%add3A_53] : memref<320000xi32, #tpu.memory_space<hbm>> -> memref<80xi32, #tpu.memory_space<hbm>>
        %dma_start3A_190 = tpu.memref_slice %arg6[%add3A_53] : memref<320000xi32, #tpu.memory_space<hbm>> -> memref<80xi32, #tpu.memory_space<hbm>>
        tpu.enqueue_dma source(%dma_start3A_190 : memref<80xi32, #tpu.memory_space<hbm>>) target(%arg14 : memref<80xi32, #tpu.memory_space<vmem>>) target_semaphore(%run_scoped3A_188 : memref<!tpu.dma_semaphore, #tpu.memory_space<semaphore_mem>>)
        %dma_wait3A_191 = tpu.memref_slice %arg6[%add3A_53] : memref<320000xi32, #tpu.memory_space<hbm>> -> memref<80xi32, #tpu.memory_space<hbm>>
        %dma_wait3A_192 = tpu.memref_slice %arg6[%add3A_53] : memref<320000xi32, #tpu.memory_space<hbm>> -> memref<80xi32, #tpu.memory_space<hbm>>
        tpu.wait_dma2 semaphore(%run_scoped3A_188 : memref<!tpu.dma_semaphore, #tpu.memory_space<semaphore_mem>>) src(%dma_wait3A_192 : memref<80xi32, #tpu.memory_space<hbm>>) dst(%arg14 : memref<80xi32, #tpu.memory_space<vmem>>)
        tpu.yield
      }) : () -> ()
      "tpu.region"() ({
        %run_scoped3A_188 = tpu.sem_alloc : memref<!tpu.dma_semaphore, #tpu.memory_space<semaphore_mem>>
        %dma_start3A_189 = tpu.memref_slice %arg7[%add3A_53] : memref<320000xi32, #tpu.memory_space<hbm>> -> memref<80xi32, #tpu.memory_space<hbm>>
        %dma_start3A_190 = tpu.memref_slice %arg7[%add3A_53] : memref<320000xi32, #tpu.memory_space<hbm>> -> memref<80xi32, #tpu.memory_space<hbm>>
        tpu.enqueue_dma source(%dma_start3A_190 : memref<80xi32, #tpu.memory_space<hbm>>) target(%arg15 : memref<80xi32, #tpu.memory_space<vmem>>) target_semaphore(%run_scoped3A_188 : memref<!tpu.dma_semaphore, #tpu.memory_space<semaphore_mem>>)
        %dma_wait3A_191 = tpu.memref_slice %arg7[%add3A_53] : memref<320000xi32, #tpu.memory_space<hbm>> -> memref<80xi32, #tpu.memory_space<hbm>>
        %dma_wait3A_192 = tpu.memref_slice %arg7[%add3A_53] : memref<320000xi32, #tpu.memory_space<hbm>> -> memref<80xi32, #tpu.memory_space<hbm>>
        tpu.wait_dma2 semaphore(%run_scoped3A_188 : memref<!tpu.dma_semaphore, #tpu.memory_space<semaphore_mem>>) src(%dma_wait3A_192 : memref<80xi32, #tpu.memory_space<hbm>>) dst(%arg15 : memref<80xi32, #tpu.memory_space<vmem>>)
        tpu.yield
      }) : () -> ()
      %dma_start3A = arith.constant 0 : i32
      %dma_start3A_54 = arith.constant 0 : i32
      %dma_start3A_55 = tpu.memref_slice %arg2[%dma_start3A, %dma_start3A_54] : memref<10240x128xf32, #tpu.memory_space<hbm>> -> memref<10240x128xf32, #tpu.memory_space<hbm>>
      tpu.enqueue_indirect_dma source(%dma_start3A_55 : memref<10240x128xf32, #tpu.memory_space<hbm>>) target(%arg17 : memref<80x128xf32, #tpu.memory_space<vmem>>) offsets(%arg14 : memref<80xi32, #tpu.memory_space<vmem>>) semaphore(%arg20 : memref<!tpu.dma_semaphore, #tpu.memory_space<semaphore_mem>>)
      %dma_wait3A = arith.constant 0 : i32
      %dma_wait3A_56 = arith.constant 0 : i32
      %dma_wait3A_57 = tpu.memref_slice %arg2[%dma_wait3A, %dma_wait3A_56] : memref<10240x128xf32, #tpu.memory_space<hbm>> -> memref<10240x128xf32, #tpu.memory_space<hbm>>
      tpu.wait_indirect_dma semaphore(%arg20 : memref<!tpu.dma_semaphore, #tpu.memory_space<semaphore_mem>>) src(%dma_wait3A_57 : memref<10240x128xf32, #tpu.memory_space<hbm>>) dst(%arg17 : memref<80x128xf32, #tpu.memory_space<vmem>>)
      %get3A_58 = arith.constant 0 : index
      %get3A_59 = tpu.vector_load %arg14[%get3A_58] {strides = array<i32>} : memref<80xi32, #tpu.memory_space<vmem>>, vector<16xi32>,
      %get3A_60 = arith.constant 0 : index
      %get3A_61 = tpu.vector_load %arg15[%get3A_60] {strides = array<i32>} : memref<80xi32, #tpu.memory_space<vmem>>, vector<16xi32>,
      %gather3A = tpu.vector_load_idx %arg10[%get3A_59] : memref<10240xf32, #tpu.memory_space<vmem>>[vector<16xi32>], vector<16xf32>,
      %gather3A_62 = tpu.vector_load_idx %arg11[%get3A_61] : memref<10240xf32, #tpu.memory_space<vmem>>[vector<16xi32>], vector<16xf32>,
      %add3A_63 = arith.addf %gather3A, %gather3A_62 : vector<16xf32>
      %ge3A_64 = arith.constant 0.000000e+00 : f32
      %ge3A_65 = vector.broadcast %ge3A_64 : f32 to vector<16xf32>
      %ge3A_66 = arith.cmpf oge, %add3A_63, %ge3A_65 : vector<16xf32>
      %mul3A_67 = arith.constant 2.000000e-01 : f32
      %mul3A_68 = vector.broadcast %mul3A_67 : f32 to vector<16xf32>
      %mul3A_69 = arith.mulf %add3A_63, %mul3A_68 : vector<16xf32>
      %select_n3A_70 = arith.select %ge3A_66, %add3A_63, %mul3A_69 : vector<16xi1>, vector<16xf32>
      %get3A_71 = arith.constant 0 : index
      %get3A_72 = tpu.vector_load %arg12[%get3A_71] {strides = array<i32>} : memref<16xf32, #tpu.memory_space<vmem>>, vector<16xf32>,
      %sub3A = arith.subf %select_n3A_70, %get3A_72 : vector<16xf32>
      %exp3A = math.exp %sub3A : vector<16xf32>
      %swap3A_73 = arith.constant 0 : index
      %swap3A_74 = tpu.vector_load %arg16[%swap3A_73] {strides = array<i32>} : memref<80xf32, #tpu.memory_space<vmem>>, vector<16xf32>,
      tpu.vector_store %arg16[%swap3A_73], %exp3A {strides = array<i32>} : memref<80xf32, #tpu.memory_space<vmem>>, vector<16xf32>,
      %shift_right_logical3A = arith.constant 7 : i32
      %shift_right_logical3A_75 = vector.broadcast %shift_right_logical3A : i32 to vector<16xi32>
      %shift_right_logical3A_76 = arith.shrui %get3A_61, %shift_right_logical3A_75 : vector<16xi32>
      %and3A = arith.constant 127 : i32
      %and3A_77 = vector.broadcast %and3A : i32 to vector<16xi32>
      %and3A_78 = arith.andi %get3A_61, %and3A_77 : vector<16xi32>
      tpu.vector_store_idx %arg18[%shift_right_logical3A_76, %and3A_78], %exp3A {add = true} : memref<80x128xf32, #tpu.memory_space<vmem>>[vector<16xi32>, vector<16xi32>], vector<16xf32>,
      %get3A_79 = arith.constant 16 : index
      %get3A_80 = tpu.vector_load %arg14[%get3A_79] {strides = array<i32>} : memref<80xi32, #tpu.memory_space<vmem>>, vector<16xi32>,
      %get3A_81 = arith.constant 16 : index
      %get3A_82 = tpu.vector_load %arg15[%get3A_81] {strides = array<i32>} : memref<80xi32, #tpu.memory_space<vmem>>, vector<16xi32>,
      %gather3A_83 = tpu.vector_load_idx %arg10[%get3A_80] : memref<10240xf32, #tpu.memory_space<vmem>>[vector<16xi32>], vector<16xf32>,
      %gather3A_84 = tpu.vector_load_idx %arg11[%get3A_82] : memref<10240xf32, #tpu.memory_space<vmem>>[vector<16xi32>], vector<16xf32>,
      %add3A_85 = arith.addf %gather3A_83, %gather3A_84 : vector<16xf32>
      %ge3A_86 = arith.constant 0.000000e+00 : f32
      %ge3A_87 = vector.broadcast %ge3A_86 : f32 to vector<16xf32>
      %ge3A_88 = arith.cmpf oge, %add3A_85, %ge3A_87 : vector<16xf32>
      %mul3A_89 = arith.constant 2.000000e-01 : f32
      %mul3A_90 = vector.broadcast %mul3A_89 : f32 to vector<16xf32>
      %mul3A_91 = arith.mulf %add3A_85, %mul3A_90 : vector<16xf32>
      %select_n3A_92 = arith.select %ge3A_88, %add3A_85, %mul3A_91 : vector<16xi1>, vector<16xf32>
      %get3A_93 = arith.constant 0 : index
      %get3A_94 = tpu.vector_load %arg12[%get3A_93] {strides = array<i32>} : memref<16xf32, #tpu.memory_space<vmem>>, vector<16xf32>,
      %sub3A_95 = arith.subf %select_n3A_92, %get3A_94 : vector<16xf32>
      %exp3A_96 = math.exp %sub3A_95 : vector<16xf32>
      %swap3A_97 = arith.constant 16 : index
      %swap3A_98 = tpu.vector_load %arg16[%swap3A_97] {strides = array<i32>} : memref<80xf32, #tpu.memory_space<vmem>>, vector<16xf32>,
      tpu.vector_store %arg16[%swap3A_97], %exp3A_96 {strides = array<i32>} : memref<80xf32, #tpu.memory_space<vmem>>, vector<16xf32>,
      %shift_right_logical3A_99 = arith.constant 7 : i32
      %shift_right_logical3A_100 = vector.broadcast %shift_right_logical3A_99 : i32 to vector<16xi32>
      %shift_right_logical3A_101 = arith.shrui %get3A_82, %shift_right_logical3A_100 : vector<16xi32>
      %and3A_102 = arith.constant 127 : i32
      %and3A_103 = vector.broadcast %and3A_102 : i32 to vector<16xi32>
      %and3A_104 = arith.andi %get3A_82, %and3A_103 : vector<16xi32>
      tpu.vector_store_idx %arg18[%shift_right_logical3A_101, %and3A_104], %exp3A_96 {add = true} : memref<80x128xf32, #tpu.memory_space<vmem>>[vector<16xi32>, vector<16xi32>], vector<16xf32>,
      %get3A_105 = arith.constant 32 : index
      %get3A_106 = tpu.vector_load %arg14[%get3A_105] {strides = array<i32>} : memref<80xi32, #tpu.memory_space<vmem>>, vector<16xi32>,
      %get3A_107 = arith.constant 32 : index
      %get3A_108 = tpu.vector_load %arg15[%get3A_107] {strides = array<i32>} : memref<80xi32, #tpu.memory_space<vmem>>, vector<16xi32>,
      %gather3A_109 = tpu.vector_load_idx %arg10[%get3A_106] : memref<10240xf32, #tpu.memory_space<vmem>>[vector<16xi32>], vector<16xf32>,
      %gather3A_110 = tpu.vector_load_idx %arg11[%get3A_108] : memref<10240xf32, #tpu.memory_space<vmem>>[vector<16xi32>], vector<16xf32>,
      %add3A_111 = arith.addf %gather3A_109, %gather3A_110 : vector<16xf32>
      %ge3A_112 = arith.constant 0.000000e+00 : f32
      %ge3A_113 = vector.broadcast %ge3A_112 : f32 to vector<16xf32>
      %ge3A_114 = arith.cmpf oge, %add3A_111, %ge3A_113 : vector<16xf32>
      %mul3A_115 = arith.constant 2.000000e-01 : f32
      %mul3A_116 = vector.broadcast %mul3A_115 : f32 to vector<16xf32>
      %mul3A_117 = arith.mulf %add3A_111, %mul3A_116 : vector<16xf32>
      %select_n3A_118 = arith.select %ge3A_114, %add3A_111, %mul3A_117 : vector<16xi1>, vector<16xf32>
      %get3A_119 = arith.constant 0 : index
      %get3A_120 = tpu.vector_load %arg12[%get3A_119] {strides = array<i32>} : memref<16xf32, #tpu.memory_space<vmem>>, vector<16xf32>,
      %sub3A_121 = arith.subf %select_n3A_118, %get3A_120 : vector<16xf32>
      %exp3A_122 = math.exp %sub3A_121 : vector<16xf32>
      %swap3A_123 = arith.constant 32 : index
      %swap3A_124 = tpu.vector_load %arg16[%swap3A_123] {strides = array<i32>} : memref<80xf32, #tpu.memory_space<vmem>>, vector<16xf32>,
      tpu.vector_store %arg16[%swap3A_123], %exp3A_122 {strides = array<i32>} : memref<80xf32, #tpu.memory_space<vmem>>, vector<16xf32>,
      %shift_right_logical3A_125 = arith.constant 7 : i32
      %shift_right_logical3A_126 = vector.broadcast %shift_right_logical3A_125 : i32 to vector<16xi32>
      %shift_right_logical3A_127 = arith.shrui %get3A_108, %shift_right_logical3A_126 : vector<16xi32>
      %and3A_128 = arith.constant 127 : i32
      %and3A_129 = vector.broadcast %and3A_128 : i32 to vector<16xi32>
      %and3A_130 = arith.andi %get3A_108, %and3A_129 : vector<16xi32>
      tpu.vector_store_idx %arg18[%shift_right_logical3A_127, %and3A_130], %exp3A_122 {add = true} : memref<80x128xf32, #tpu.memory_space<vmem>>[vector<16xi32>, vector<16xi32>], vector<16xf32>,
      %get3A_131 = arith.constant 48 : index
      %get3A_132 = tpu.vector_load %arg14[%get3A_131] {strides = array<i32>} : memref<80xi32, #tpu.memory_space<vmem>>, vector<16xi32>,
      %get3A_133 = arith.constant 48 : index
      %get3A_134 = tpu.vector_load %arg15[%get3A_133] {strides = array<i32>} : memref<80xi32, #tpu.memory_space<vmem>>, vector<16xi32>,
      %gather3A_135 = tpu.vector_load_idx %arg10[%get3A_132] : memref<10240xf32, #tpu.memory_space<vmem>>[vector<16xi32>], vector<16xf32>,
      %gather3A_136 = tpu.vector_load_idx %arg11[%get3A_134] : memref<10240xf32, #tpu.memory_space<vmem>>[vector<16xi32>], vector<16xf32>,
      %add3A_137 = arith.addf %gather3A_135, %gather3A_136 : vector<16xf32>
      %ge3A_138 = arith.constant 0.000000e+00 : f32
      %ge3A_139 = vector.broadcast %ge3A_138 : f32 to vector<16xf32>
      %ge3A_140 = arith.cmpf oge, %add3A_137, %ge3A_139 : vector<16xf32>
      %mul3A_141 = arith.constant 2.000000e-01 : f32
      %mul3A_142 = vector.broadcast %mul3A_141 : f32 to vector<16xf32>
      %mul3A_143 = arith.mulf %add3A_137, %mul3A_142 : vector<16xf32>
      %select_n3A_144 = arith.select %ge3A_140, %add3A_137, %mul3A_143 : vector<16xi1>, vector<16xf32>
      %get3A_145 = arith.constant 0 : index
      %get3A_146 = tpu.vector_load %arg12[%get3A_145] {strides = array<i32>} : memref<16xf32, #tpu.memory_space<vmem>>, vector<16xf32>,
      %sub3A_147 = arith.subf %select_n3A_144, %get3A_146 : vector<16xf32>
      %exp3A_148 = math.exp %sub3A_147 : vector<16xf32>
      %swap3A_149 = arith.constant 48 : index
      %swap3A_150 = tpu.vector_load %arg16[%swap3A_149] {strides = array<i32>} : memref<80xf32, #tpu.memory_space<vmem>>, vector<16xf32>,
      tpu.vector_store %arg16[%swap3A_149], %exp3A_148 {strides = array<i32>} : memref<80xf32, #tpu.memory_space<vmem>>, vector<16xf32>,
      %shift_right_logical3A_151 = arith.constant 7 : i32
      %shift_right_logical3A_152 = vector.broadcast %shift_right_logical3A_151 : i32 to vector<16xi32>
      %shift_right_logical3A_153 = arith.shrui %get3A_134, %shift_right_logical3A_152 : vector<16xi32>
      %and3A_154 = arith.constant 127 : i32
      %and3A_155 = vector.broadcast %and3A_154 : i32 to vector<16xi32>
      %and3A_156 = arith.andi %get3A_134, %and3A_155 : vector<16xi32>
      tpu.vector_store_idx %arg18[%shift_right_logical3A_153, %and3A_156], %exp3A_148 {add = true} : memref<80x128xf32, #tpu.memory_space<vmem>>[vector<16xi32>, vector<16xi32>], vector<16xf32>,
      %get3A_157 = arith.constant 64 : index
      %get3A_158 = tpu.vector_load %arg14[%get3A_157] {strides = array<i32>} : memref<80xi32, #tpu.memory_space<vmem>>, vector<16xi32>,
      %get3A_159 = arith.constant 64 : index
      %get3A_160 = tpu.vector_load %arg15[%get3A_159] {strides = array<i32>} : memref<80xi32, #tpu.memory_space<vmem>>, vector<16xi32>,
      %gather3A_161 = tpu.vector_load_idx %arg10[%get3A_158] : memref<10240xf32, #tpu.memory_space<vmem>>[vector<16xi32>], vector<16xf32>,
      %gather3A_162 = tpu.vector_load_idx %arg11[%get3A_160] : memref<10240xf32, #tpu.memory_space<vmem>>[vector<16xi32>], vector<16xf32>,
      %add3A_163 = arith.addf %gather3A_161, %gather3A_162 : vector<16xf32>
      %ge3A_164 = arith.constant 0.000000e+00 : f32
      %ge3A_165 = vector.broadcast %ge3A_164 : f32 to vector<16xf32>
      %ge3A_166 = arith.cmpf oge, %add3A_163, %ge3A_165 : vector<16xf32>
      %mul3A_167 = arith.constant 2.000000e-01 : f32
      %mul3A_168 = vector.broadcast %mul3A_167 : f32 to vector<16xf32>
      %mul3A_169 = arith.mulf %add3A_163, %mul3A_168 : vector<16xf32>
      %select_n3A_170 = arith.select %ge3A_166, %add3A_163, %mul3A_169 : vector<16xi1>, vector<16xf32>
      %get3A_171 = arith.constant 0 : index
      %get3A_172 = tpu.vector_load %arg12[%get3A_171] {strides = array<i32>} : memref<16xf32, #tpu.memory_space<vmem>>, vector<16xf32>,
      %sub3A_173 = arith.subf %select_n3A_170, %get3A_172 : vector<16xf32>
      %exp3A_174 = math.exp %sub3A_173 : vector<16xf32>
      %swap3A_175 = arith.constant 64 : index
      %swap3A_176 = tpu.vector_load %arg16[%swap3A_175] {strides = array<i32>} : memref<80xf32, #tpu.memory_space<vmem>>, vector<16xf32>,
      tpu.vector_store %arg16[%swap3A_175], %exp3A_174 {strides = array<i32>} : memref<80xf32, #tpu.memory_space<vmem>>, vector<16xf32>,
      %shift_right_logical3A_177 = arith.constant 7 : i32
      %shift_right_logical3A_178 = vector.broadcast %shift_right_logical3A_177 : i32 to vector<16xi32>
      %shift_right_logical3A_179 = arith.shrui %get3A_160, %shift_right_logical3A_178 : vector<16xi32>
      %and3A_180 = arith.constant 127 : i32
      %and3A_181 = vector.broadcast %and3A_180 : i32 to vector<16xi32>
      %and3A_182 = arith.andi %get3A_160, %and3A_181 : vector<16xi32>
      tpu.vector_store_idx %arg18[%shift_right_logical3A_179, %and3A_182], %exp3A_174 {add = true} : memref<80x128xf32, #tpu.memory_space<vmem>>[vector<16xi32>, vector<16xi32>], vector<16xf32>,
      %scan3A_183 = arith.constant 0 : i32
      %scan3A_184 = arith.constant 80 : i32
      %scan3A_185 = arith.addi %scan3A_183, %scan3A_184 : i32
      %scan3A_186 = arith.constant 1 : i32
      scf.for %scan3A_188 = %scan3A_183 to %scan3A_185 step %scan3A_186  : i32 {
        %mul3A_189 = arith.constant 1 : i32
        %mul3A_190 = arith.muli %scan3A_188, %mul3A_189 : i32
        %add3A_191 = arith.constant 0 : i32
        %add3A_192 = arith.addi %add3A_191, %mul3A_190 : i32
        %broadcast_in_dim3A = arith.constant 0 : i32
        %broadcast_in_dim3A_193 = vector.broadcast %broadcast_in_dim3A : i32 to vector<16xi32>
        %add3A_194 = vector.broadcast %add3A_192 : i32 to vector<16xi32>
        %add3A_195 = arith.addi %broadcast_in_dim3A_193, %add3A_194 : vector<16xi32>
        %gather3A_196 = tpu.vector_load_idx %arg16[%add3A_195] : memref<80xf32, #tpu.memory_space<vmem>>[vector<16xi32>], vector<16xf32>,
        %get3A_197 = arith.index_cast %add3A_192 : i32 to index
        %get3A_198 = arith.constant 0 : index
        %get3A_199 = tpu.vector_load %arg17[%get3A_197, %get3A_198] {strides = array<i32>} : memref<80x128xf32, #tpu.memory_space<vmem>>, vector<16xf32>,
        %mul3A_200 = arith.mulf %get3A_199, %gather3A_196 : vector<16xf32>
        %swap3A_201 = arith.index_cast %add3A_192 : i32 to index
        %swap3A_202 = arith.constant 0 : index
        %swap3A_203 = tpu.vector_load %arg17[%swap3A_201, %swap3A_202] {strides = array<i32>} : memref<80x128xf32, #tpu.memory_space<vmem>>, vector<16xf32>,
        tpu.vector_store %arg17[%swap3A_201, %swap3A_202], %mul3A_200 {strides = array<i32>} : memref<80x128xf32, #tpu.memory_space<vmem>>, vector<16xf32>,
        %get3A_204 = arith.index_cast %add3A_192 : i32 to index
        %get3A_205 = arith.constant 16 : index
        %get3A_206 = tpu.vector_load %arg17[%get3A_204, %get3A_205] {strides = array<i32>} : memref<80x128xf32, #tpu.memory_space<vmem>>, vector<16xf32>,
        %mul3A_207 = arith.mulf %get3A_206, %gather3A_196 : vector<16xf32>
        %swap3A_208 = arith.index_cast %add3A_192 : i32 to index
        %swap3A_209 = arith.constant 16 : index
        %swap3A_210 = tpu.vector_load %arg17[%swap3A_208, %swap3A_209] {strides = array<i32>} : memref<80x128xf32, #tpu.memory_space<vmem>>, vector<16xf32>,
        tpu.vector_store %arg17[%swap3A_208, %swap3A_209], %mul3A_207 {strides = array<i32>} : memref<80x128xf32, #tpu.memory_space<vmem>>, vector<16xf32>,
        %get3A_211 = arith.index_cast %add3A_192 : i32 to index
        %get3A_212 = arith.constant 32 : index
        %get3A_213 = tpu.vector_load %arg17[%get3A_211, %get3A_212] {strides = array<i32>} : memref<80x128xf32, #tpu.memory_space<vmem>>, vector<16xf32>,
        %mul3A_214 = arith.mulf %get3A_213, %gather3A_196 : vector<16xf32>
        %swap3A_215 = arith.index_cast %add3A_192 : i32 to index
        %swap3A_216 = arith.constant 32 : index
        %swap3A_217 = tpu.vector_load %arg17[%swap3A_215, %swap3A_216] {strides = array<i32>} : memref<80x128xf32, #tpu.memory_space<vmem>>, vector<16xf32>,
        tpu.vector_store %arg17[%swap3A_215, %swap3A_216], %mul3A_214 {strides = array<i32>} : memref<80x128xf32, #tpu.memory_space<vmem>>, vector<16xf32>,
        %get3A_218 = arith.index_cast %add3A_192 : i32 to index
        %get3A_219 = arith.constant 48 : index
        %get3A_220 = tpu.vector_load %arg17[%get3A_218, %get3A_219] {strides = array<i32>} : memref<80x128xf32, #tpu.memory_space<vmem>>, vector<16xf32>,
        %mul3A_221 = arith.mulf %get3A_220, %gather3A_196 : vector<16xf32>
        %swap3A_222 = arith.index_cast %add3A_192 : i32 to index
        %swap3A_223 = arith.constant 48 : index
        %swap3A_224 = tpu.vector_load %arg17[%swap3A_222, %swap3A_223] {strides = array<i32>} : memref<80x128xf32, #tpu.memory_space<vmem>>, vector<16xf32>,
        tpu.vector_store %arg17[%swap3A_222, %swap3A_223], %mul3A_221 {strides = array<i32>} : memref<80x128xf32, #tpu.memory_space<vmem>>, vector<16xf32>,
        %get3A_225 = arith.index_cast %add3A_192 : i32 to index
        %get3A_226 = arith.constant 64 : index
        %get3A_227 = tpu.vector_load %arg17[%get3A_225, %get3A_226] {strides = array<i32>} : memref<80x128xf32, #tpu.memory_space<vmem>>, vector<16xf32>,
        %mul3A_228 = arith.mulf %get3A_227, %gather3A_196 : vector<16xf32>
        %swap3A_229 = arith.index_cast %add3A_192 : i32 to index
        %swap3A_230 = arith.constant 64 : index
        %swap3A_231 = tpu.vector_load %arg17[%swap3A_229, %swap3A_230] {strides = array<i32>} : memref<80x128xf32, #tpu.memory_space<vmem>>, vector<16xf32>,
        tpu.vector_store %arg17[%swap3A_229, %swap3A_230], %mul3A_228 {strides = array<i32>} : memref<80x128xf32, #tpu.memory_space<vmem>>, vector<16xf32>,
        %get3A_232 = arith.index_cast %add3A_192 : i32 to index
        %get3A_233 = arith.constant 80 : index
        %get3A_234 = tpu.vector_load %arg17[%get3A_232, %get3A_233] {strides = array<i32>} : memref<80x128xf32, #tpu.memory_space<vmem>>, vector<16xf32>,
        %mul3A_235 = arith.mulf %get3A_234, %gather3A_196 : vector<16xf32>
        %swap3A_236 = arith.index_cast %add3A_192 : i32 to index
        %swap3A_237 = arith.constant 80 : index
        %swap3A_238 = tpu.vector_load %arg17[%swap3A_236, %swap3A_237] {strides = array<i32>} : memref<80x128xf32, #tpu.memory_space<vmem>>, vector<16xf32>,
        tpu.vector_store %arg17[%swap3A_236, %swap3A_237], %mul3A_235 {strides = array<i32>} : memref<80x128xf32, #tpu.memory_space<vmem>>, vector<16xf32>,
        %get3A_239 = arith.index_cast %add3A_192 : i32 to index
        %get3A_240 = arith.constant 96 : index
        %get3A_241 = tpu.vector_load %arg17[%get3A_239, %get3A_240] {strides = array<i32>} : memref<80x128xf32, #tpu.memory_space<vmem>>, vector<16xf32>,
        %mul3A_242 = arith.mulf %get3A_241, %gather3A_196 : vector<16xf32>
        %swap3A_243 = arith.index_cast %add3A_192 : i32 to index
        %swap3A_244 = arith.constant 96 : index
        %swap3A_245 = tpu.vector_load %arg17[%swap3A_243, %swap3A_244] {strides = array<i32>} : memref<80x128xf32, #tpu.memory_space<vmem>>, vector<16xf32>,
        tpu.vector_store %arg17[%swap3A_243, %swap3A_244], %mul3A_242 {strides = array<i32>} : memref<80x128xf32, #tpu.memory_space<vmem>>, vector<16xf32>,
        %get3A_246 = arith.index_cast %add3A_192 : i32 to index
        %get3A_247 = arith.constant 112 : index
        %get3A_248 = tpu.vector_load %arg17[%get3A_246, %get3A_247] {strides = array<i32>} : memref<80x128xf32, #tpu.memory_space<vmem>>, vector<16xf32>,
        %mul3A_249 = arith.mulf %get3A_248, %gather3A_196 : vector<16xf32>
        %swap3A_250 = arith.index_cast %add3A_192 : i32 to index
        %swap3A_251 = arith.constant 112 : index
        %swap3A_252 = tpu.vector_load %arg17[%swap3A_250, %swap3A_251] {strides = array<i32>} : memref<80x128xf32, #tpu.memory_space<vmem>>, vector<16xf32>,
        tpu.vector_store %arg17[%swap3A_250, %swap3A_251], %mul3A_249 {strides = array<i32>} : memref<80x128xf32, #tpu.memory_space<vmem>>, vector<16xf32>,
      }
      %scan3A_187 = arith.constant 80 : i32
      "tpu.region"() ({
        %run_scoped3A_188 = tpu.sem_alloc : memref<!tpu.dma_semaphore, #tpu.memory_space<semaphore_mem>>
        %dma_start3A_189 = arith.constant 0 : i32
        %dma_start3A_190 = arith.constant 0 : i32
        %dma_start3A_191 = tpu.memref_slice %arg19[%dma_start3A_189, %dma_start3A_190] : memref<10240x128xf32, #tpu.memory_space<vmem_shared>> -> memref<10240x128xf32, #tpu.memory_space<vmem_shared>>
        tpu.enqueue_indirect_dma source(%arg17 : memref<80x128xf32, #tpu.memory_space<vmem>>) target(%dma_start3A_191 : memref<10240x128xf32, #tpu.memory_space<vmem_shared>>) offsets(%arg15 : memref<80xi32, #tpu.memory_space<vmem>>) semaphore(%run_scoped3A_188 : memref<!tpu.dma_semaphore, #tpu.memory_space<semaphore_mem>>) {add = true}
        %dma_wait3A_192 = arith.constant 0 : i32
        %dma_wait3A_193 = arith.constant 0 : i32
        %dma_wait3A_194 = tpu.memref_slice %arg19[%dma_wait3A_192, %dma_wait3A_193] : memref<10240x128xf32, #tpu.memory_space<vmem_shared>> -> memref<10240x128xf32, #tpu.memory_space<vmem_shared>>
        tpu.wait_indirect_dma semaphore(%run_scoped3A_188 : memref<!tpu.dma_semaphore, #tpu.memory_space<semaphore_mem>>) src(%arg17 : memref<80x128xf32, #tpu.memory_space<vmem>>) dst(%dma_wait3A_194 : memref<10240x128xf32, #tpu.memory_space<vmem_shared>>)
        tpu.yield
      }) : () -> ()
    }
    %scan3A_36 = arith.constant 125 : i32
    %mul3A_37 = arith.constant 16 : i32
    %mul3A_38 = arith.muli %arg0, %mul3A_37 : i32
    %add3A_39 = arith.addi %mul3A_38, %arg1 : i32
    "tpu.region"() ({
      %run_scoped3A_46 = tpu.sem_alloc : memref<!tpu.dma_semaphore, #tpu.memory_space<semaphore_mem>>
      %dma_start3A = arith.constant 0 : i32
      %dma_start3A_47 = arith.constant 0 : i32
      %dma_start3A_48 = tpu.memref_slice %arg9[%add3A_39, %dma_start3A, %dma_start3A_47] : memref<32x80x128xf32, #tpu.memory_space<hbm>> -> memref<1x80x128xf32, #tpu.memory_space<hbm>>
      %dma_start3A_49 = tpu.memref_squeeze %dma_start3A_48 : memref<1x80x128xf32, #tpu.memory_space<hbm>> -> memref<80x128xf32, #tpu.memory_space<hbm>>
      %dma_start3A_50 = arith.constant 0 : i32
      %dma_start3A_51 = arith.constant 0 : i32
      %dma_start3A_52 = tpu.memref_slice %arg9[%add3A_39, %dma_start3A_50, %dma_start3A_51] : memref<32x80x128xf32, #tpu.memory_space<hbm>> -> memref<1x80x128xf32, #tpu.memory_space<hbm>>
      %dma_start3A_53 = tpu.memref_squeeze %dma_start3A_52 : memref<1x80x128xf32, #tpu.memory_space<hbm>> -> memref<80x128xf32, #tpu.memory_space<hbm>>
      tpu.enqueue_dma source(%arg18 : memref<80x128xf32, #tpu.memory_space<vmem>>) target(%dma_start3A_53 : memref<80x128xf32, #tpu.memory_space<hbm>>) target_semaphore(%run_scoped3A_46 : memref<!tpu.dma_semaphore, #tpu.memory_space<semaphore_mem>>)
      %dma_wait3A = arith.constant 0 : i32
      %dma_wait3A_54 = arith.constant 0 : i32
      %dma_wait3A_55 = tpu.memref_slice %arg9[%add3A_39, %dma_wait3A, %dma_wait3A_54] : memref<32x80x128xf32, #tpu.memory_space<hbm>> -> memref<1x80x128xf32, #tpu.memory_space<hbm>>
      %dma_wait3A_56 = tpu.memref_squeeze %dma_wait3A_55 : memref<1x80x128xf32, #tpu.memory_space<hbm>> -> memref<80x128xf32, #tpu.memory_space<hbm>>
      %dma_wait3A_57 = arith.constant 0 : i32
      %dma_wait3A_58 = arith.constant 0 : i32
      %dma_wait3A_59 = tpu.memref_slice %arg9[%add3A_39, %dma_wait3A_57, %dma_wait3A_58] : memref<32x80x128xf32, #tpu.memory_space<hbm>> -> memref<1x80x128xf32, #tpu.memory_space<hbm>>
      %dma_wait3A_60 = tpu.memref_squeeze %dma_wait3A_59 : memref<1x80x128xf32, #tpu.memory_space<hbm>> -> memref<80x128xf32, #tpu.memory_space<hbm>>
      tpu.wait_dma2 semaphore(%run_scoped3A_46 : memref<!tpu.dma_semaphore, #tpu.memory_space<semaphore_mem>>) src(%arg18 : memref<80x128xf32, #tpu.memory_space<vmem>>) dst(%dma_wait3A_60 : memref<80x128xf32, #tpu.memory_space<hbm>>)
      tpu.yield
    }) : () -> ()
    %barrier3A_40 = arith.constant 0 : index
    tpu.barrier barrier_id(%barrier3A_40)
    %scan3A_41 = arith.constant 0 : i32
    %scan3A_42 = arith.constant 8 : i32
    %scan3A_43 = arith.addi %scan3A_41, %scan3A_42 : i32
    %scan3A_44 = arith.constant 1 : i32
    scf.for %scan3A_46 = %scan3A_41 to %scan3A_43 step %scan3A_44  : i32 {
      %mul3A_47 = arith.constant 1 : i32
      %mul3A_48 = arith.muli %scan3A_46, %mul3A_47 : i32
      %add3A_49 = arith.constant 0 : i32
      %add3A_50 = arith.addi %add3A_49, %mul3A_48 : i32
      %mul3A_51 = arith.constant 80 : i32
      %mul3A_52 = arith.muli %add3A_50, %mul3A_51 : i32
      %add3A_53 = arith.addi %mul3A_9, %mul3A_52 : i32
      "tpu.region"() ({
        %run_scoped3A_54 = tpu.sem_alloc : memref<!tpu.dma_semaphore, #tpu.memory_space<semaphore_mem>>
        %dma_start3A = arith.constant 0 : i32
        %dma_start3A_55 = tpu.memref_slice %arg8[%arg0, %add3A_53, %dma_start3A] : memref<2x10240x128xf32, #tpu.memory_space<hbm>> -> memref<1x80x128xf32, #tpu.memory_space<hbm>>
        %dma_start3A_56 = tpu.memref_squeeze %dma_start3A_55 : memref<1x80x128xf32, #tpu.memory_space<hbm>> -> memref<80x128xf32, #tpu.memory_space<hbm>>
        %dma_start3A_57 = arith.constant 0 : i32
        %dma_start3A_58 = tpu.memref_slice %arg19[%add3A_53, %dma_start3A_57] : memref<10240x128xf32, #tpu.memory_space<vmem_shared>> -> memref<80x128xf32, #tpu.memory_space<vmem_shared>>
        tpu.enqueue_dma source(%dma_start3A_58 : memref<80x128xf32, #tpu.memory_space<vmem_shared>>) target(%dma_start3A_56 : memref<80x128xf32, #tpu.memory_space<hbm>>) target_semaphore(%run_scoped3A_54 : memref<!tpu.dma_semaphore, #tpu.memory_space<semaphore_mem>>)
        %dma_wait3A = arith.constant 0 : i32
        %dma_wait3A_59 = tpu.memref_slice %arg8[%arg0, %add3A_53, %dma_wait3A] : memref<2x10240x128xf32, #tpu.memory_space<hbm>> -> memref<1x80x128xf32, #tpu.memory_space<hbm>>
        %dma_wait3A_60 = tpu.memref_squeeze %dma_wait3A_59 : memref<1x80x128xf32, #tpu.memory_space<hbm>> -> memref<80x128xf32, #tpu.memory_space<hbm>>
        %dma_wait3A_61 = arith.constant 0 : i32
        %dma_wait3A_62 = tpu.memref_slice %arg19[%add3A_53, %dma_wait3A_61] : memref<10240x128xf32, #tpu.memory_space<vmem_shared>> -> memref<80x128xf32, #tpu.memory_space<vmem_shared>>
        tpu.wait_dma2 semaphore(%run_scoped3A_54 : memref<!tpu.dma_semaphore, #tpu.memory_space<semaphore_mem>>) src(%dma_wait3A_62 : memref<80x128xf32, #tpu.memory_space<vmem_shared>>) dst(%dma_wait3A_60 : memref<80x128xf32, #tpu.memory_space<hbm>>)
        tpu.yield
      }) : () -> ()
    }
    %scan3A_45 = arith.constant 8 : i32
    return
  }
}

module attributes {stable_mosaic.version = 14 : i64} {
  func.func @_den_reduce_body(%arg0: i32, %arg1: memref<32x16x128xf32, #tpu.memory_space<vmem>>, %arg2: memref<16x128xf32, #tpu.memory_space<vmem>>) attributes {dimension_semantics = [#tpu.dimension_semantics<arbitrary>], iteration_bounds = array<i64: 5>, scalar_prefetch = 0 : i64, scratch_operands = 0 : i64, tpu.core_type = #tpu.core_type<tc>, window_params = [{transform_indices = @transform_0, window_bounds = array<i64: 32, 16, 128>}, {transform_indices = @transform_1, window_bounds = array<i64: 16, 128>}]} {
    %get3A = arith.constant 0 : index
    %get3A_0 = arith.constant 0 : index
    %get3A_1 = arith.constant 0 : index
    %get3A_2 = vector.load %arg1[%get3A, %get3A_0, %get3A_1] : memref<32x16x128xf32, #tpu.memory_space<vmem>>, vector<32x16x128xf32>
    %reduce_sum3A = arith.constant dense<0.000000e+00> : vector<16x128xf32>
    %reduce_sum3A_3 = vector.multi_reduction <add>, %get3A_2, %reduce_sum3A [0] : vector<32x16x128xf32> to vector<16x128xf32>
    %swap3A = arith.constant 0 : index
    %swap3A_4 = arith.constant 0 : index
    %swap3A_5 = vector.load %arg2[%swap3A, %swap3A_4] : memref<16x128xf32, #tpu.memory_space<vmem>>, vector<16x128xf32>
    tpu.vector_store %arg2[%swap3A, %swap3A_4], %reduce_sum3A_3 {strides = array<i32>} : memref<16x128xf32, #tpu.memory_space<vmem>>, vector<16x128xf32>,
    return
  }
  func.func @transform_0(%arg0: i32) -> (i32, i32, i32) {
    %c0_i32 = arith.constant 0 : i32
    %c0_i32_0 = arith.constant 0 : i32
    %c0_i32_1 = arith.constant 0 : i32
    return %c0_i32, %arg0, %c0_i32_0 : i32, i32, i32
  }
  func.func @transform_1(%arg0: i32) -> (i32, i32) {
    %c0_i32 = arith.constant 0 : i32
    %c0_i32_0 = arith.constant 0 : i32
    return %arg0, %c0_i32 : i32, i32
  }
}

module attributes {stable_mosaic.version = 14 : i64} {
  func.func @_prep_body(%arg0: i32, %arg1: memref<2048x128xf32, #tpu.memory_space<vmem>>, %arg2: memref<128x128xf32, #tpu.memory_space<vmem>>, %arg3: memref<2x128xf32, #tpu.memory_space<vmem>>, %arg4: memref<2048x128xf32, #tpu.memory_space<vmem>>, %arg5: memref<2x16x128xf32, #tpu.memory_space<vmem>>, %arg6: memref<8x128xf32, #tpu.memory_space<vmem>>, %arg7: memref<8x128xf32, #tpu.memory_space<vmem>>) attributes {dimension_semantics = [#tpu.dimension_semantics<arbitrary>], iteration_bounds = array<i64: 5>, scalar_prefetch = 0 : i64, scratch_operands = 0 : i64, tpu.core_type = #tpu.core_type<tc>, window_params = [{transform_indices = @transform_0, window_bounds = array<i64: 2048, 128>}, {pipeline_mode = #tpu.pipeline_mode<synchronous>, transform_indices = @transform_1, window_bounds = array<i64: 128, 128>}, {pipeline_mode = #tpu.pipeline_mode<synchronous>, transform_indices = @transform_2, window_bounds = array<i64: 2, 128>}, {transform_indices = @transform_3, window_bounds = array<i64: 2048, 128>}, {transform_indices = @transform_4, window_bounds = array<i64: 2, 16, 128>}, {pipeline_mode = #tpu.pipeline_mode<synchronous>, transform_indices = @transform_5, window_bounds = array<i64: 8, 128>}, {pipeline_mode = #tpu.pipeline_mode<synchronous>, transform_indices = @transform_6, window_bounds = array<i64: 8, 128>}]} {
    %get3A = arith.constant 0 : index
    %get3A_0 = arith.constant 0 : index
    %get3A_1 = vector.load %arg1[%get3A, %get3A_0] : memref<2048x128xf32, #tpu.memory_space<vmem>>, vector<2048x128xf32>
    %get3A_2 = arith.constant 0 : index
    %get3A_3 = arith.constant 0 : index
    %get3A_4 = vector.load %arg2[%get3A_2, %get3A_3] : memref<128x128xf32, #tpu.memory_space<vmem>>, vector<128x128xf32>
    %dot_general3A = arith.constant dense<0.000000e+00> : vector<2048x128xf32>
    %dot_general3A_5 = tpu.matmul %get3A_1, %get3A_4, %dot_general3A {dimension_numbers = #tpu.dot_dimension_numbers<[1], [0], [0], [1], [0, 0, 1, 1], [], []>, transpose_lhs_hint = false} : vector<2048x128xf32>, vector<128x128xf32>, vector<2048x128xf32> -> vector<2048x128xf32>
    %swap3A = arith.constant 0 : index
    %swap3A_6 = arith.constant 0 : index
    %swap3A_7 = vector.load %arg4[%swap3A, %swap3A_6] : memref<2048x128xf32, #tpu.memory_space<vmem>>, vector<2048x128xf32>
    tpu.vector_store %arg4[%swap3A, %swap3A_6], %dot_general3A_5 {strides = array<i32>} : memref<2048x128xf32, #tpu.memory_space<vmem>>, vector<2048x128xf32>,
    %get3A_8 = arith.constant 0 : index
    %get3A_9 = arith.constant 0 : index
    %get3A_10 = vector.load %arg3[%get3A_8, %get3A_9] : memref<2x128xf32, #tpu.memory_space<vmem>>, vector<1x128xf32>
    %get3A_11 = vector.shape_cast %get3A_10 : vector<1x128xf32> to vector<128xf32>
    %broadcast_in_dim3A = vector.shape_cast %get3A_11 : vector<128xf32> to vector<1x128xf32>
    %mul3A = vector.broadcast %broadcast_in_dim3A : vector<1x128xf32> to vector<2048x128xf32>
    %mul3A_12 = arith.mulf %dot_general3A_5, %mul3A : vector<2048x128xf32>
    %reduce_sum3A = arith.constant dense<0.000000e+00> : vector<2048xf32>
    %reduce_sum3A_13 = vector.multi_reduction <add>, %mul3A_12, %reduce_sum3A [1] : vector<2048x128xf32> to vector<2048xf32>
    %get3A_14 = arith.constant 1 : index
    %get3A_15 = arith.constant 0 : index
    %get3A_16 = vector.load %arg3[%get3A_14, %get3A_15] : memref<2x128xf32, #tpu.memory_space<vmem>>, vector<1x128xf32>
    %get3A_17 = vector.shape_cast %get3A_16 : vector<1x128xf32> to vector<128xf32>
    %broadcast_in_dim3A_18 = vector.shape_cast %get3A_17 : vector<128xf32> to vector<1x128xf32>
    %mul3A_19 = vector.broadcast %broadcast_in_dim3A_18 : vector<1x128xf32> to vector<2048x128xf32>
    %mul3A_20 = arith.mulf %dot_general3A_5, %mul3A_19 : vector<2048x128xf32>
    %reduce_sum3A_21 = arith.constant dense<0.000000e+00> : vector<2048xf32>
    %reduce_sum3A_22 = vector.multi_reduction <add>, %mul3A_20, %reduce_sum3A_21 [1] : vector<2048x128xf32> to vector<2048xf32>
    %reshape3A = vector.shape_cast %reduce_sum3A_13 : vector<2048xf32> to vector<16x128xf32>
    %swap3A_23 = arith.constant 0 : index
    %swap3A_24 = arith.constant 0 : index
    %swap3A_25 = arith.constant 0 : index
    %swap3A_26 = vector.load %arg5[%swap3A_23, %swap3A_24, %swap3A_25] : memref<2x16x128xf32, #tpu.memory_space<vmem>>, vector<1x16x128xf32>
    %swap3A_27 = vector.shape_cast %swap3A_26 : vector<1x16x128xf32> to vector<16x128xf32>
    %swap3A_28 = vector.shape_cast %reshape3A : vector<16x128xf32> to vector<1x16x128xf32>
    tpu.vector_store %arg5[%swap3A_23, %swap3A_24, %swap3A_25], %swap3A_28 {strides = array<i32>} : memref<2x16x128xf32, #tpu.memory_space<vmem>>, vector<1x16x128xf32>,
    %reshape3A_29 = vector.shape_cast %reduce_sum3A_22 : vector<2048xf32> to vector<16x128xf32>
    %swap3A_30 = arith.constant 1 : index
    %swap3A_31 = arith.constant 0 : index
    %swap3A_32 = arith.constant 0 : index
    %swap3A_33 = vector.load %arg5[%swap3A_30, %swap3A_31, %swap3A_32] : memref<2x16x128xf32, #tpu.memory_space<vmem>>, vector<1x16x128xf32>
    %swap3A_34 = vector.shape_cast %swap3A_33 : vector<1x16x128xf32> to vector<16x128xf32>
    %swap3A_35 = vector.shape_cast %reshape3A_29 : vector<16x128xf32> to vector<1x16x128xf32>
    tpu.vector_store %arg5[%swap3A_30, %swap3A_31, %swap3A_32], %swap3A_35 {strides = array<i32>} : memref<2x16x128xf32, #tpu.memory_space<vmem>>, vector<1x16x128xf32>,
    %eq3A = arith.constant 0 : i32
    %eq3A_36 = arith.cmpi eq, %arg0, %eq3A : i32
    %convert_element_type3A = arith.extui %eq3A_36 : i1 to i32
    %cond3A = arith.constant 0 : i32
    %cond3A_37 = arith.cmpi ne, %convert_element_type3A, %cond3A : i32
    scf.if %cond3A_37 {
      %broadcast_in_dim3A_62 = arith.constant -1.000000e+30 : f32
      %broadcast_in_dim3A_63 = vector.broadcast %broadcast_in_dim3A_62 : f32 to vector<8x128xf32>
      %swap3A_64 = arith.constant 0 : index
      %swap3A_65 = arith.constant 0 : index
      %swap3A_66 = vector.load %arg6[%swap3A_64, %swap3A_65] : memref<8x128xf32, #tpu.memory_space<vmem>>, vector<8x128xf32>
      tpu.vector_store %arg6[%swap3A_64, %swap3A_65], %broadcast_in_dim3A_63 {strides = array<i32>} : memref<8x128xf32, #tpu.memory_space<vmem>>, vector<8x128xf32>,
      %broadcast_in_dim3A_67 = arith.constant -1.000000e+30 : f32
      %broadcast_in_dim3A_68 = vector.broadcast %broadcast_in_dim3A_67 : f32 to vector<8x128xf32>
      %swap3A_69 = arith.constant 0 : index
      %swap3A_70 = arith.constant 0 : index
      %swap3A_71 = vector.load %arg7[%swap3A_69, %swap3A_70] : memref<8x128xf32, #tpu.memory_space<vmem>>, vector<8x128xf32>
      tpu.vector_store %arg7[%swap3A_69, %swap3A_70], %broadcast_in_dim3A_68 {strides = array<i32>} : memref<8x128xf32, #tpu.memory_space<vmem>>, vector<8x128xf32>,
    } else {
    }
    %get3A_38 = arith.constant 0 : index
    %get3A_39 = arith.constant 0 : index
    %get3A_40 = vector.load %arg6[%get3A_38, %get3A_39] : memref<8x128xf32, #tpu.memory_space<vmem>>, vector<8x128xf32>
    %reduce_max3A = vector.shape_cast %reduce_sum3A_13 : vector<2048xf32> to vector<1x2048xf32>
    %reduce_max3A_41 = arith.constant dense<0xFF800000> : vector<1xf32>
    %reduce_max3A_42 = vector.multi_reduction <maximumf>, %reduce_max3A, %reduce_max3A_41 [1] : vector<1x2048xf32> to vector<1xf32>
    %reduce_max3A_43 = vector.shape_cast %reduce_max3A_42 : vector<1xf32> to vector<1x1xf32>
    %reduce_max3A_44 = vector.extract %reduce_max3A_43[0, 0] : f32 from vector<1x1xf32>
    %max3A = vector.broadcast %reduce_max3A_44 : f32 to vector<8x128xf32>
    %max3A_45 = arith.maximumf %get3A_40, %max3A : vector<8x128xf32>
    %swap3A_46 = arith.constant 0 : index
    %swap3A_47 = arith.constant 0 : index
    %swap3A_48 = vector.load %arg6[%swap3A_46, %swap3A_47] : memref<8x128xf32, #tpu.memory_space<vmem>>, vector<8x128xf32>
    tpu.vector_store %arg6[%swap3A_46, %swap3A_47], %max3A_45 {strides = array<i32>} : memref<8x128xf32, #tpu.memory_space<vmem>>, vector<8x128xf32>,
    %get3A_49 = arith.constant 0 : index
    %get3A_50 = arith.constant 0 : index
    %get3A_51 = vector.load %arg7[%get3A_49, %get3A_50] : memref<8x128xf32, #tpu.memory_space<vmem>>, vector<8x128xf32>
    %reduce_max3A_52 = vector.shape_cast %reduce_sum3A_22 : vector<2048xf32> to vector<1x2048xf32>
    %reduce_max3A_53 = arith.constant dense<0xFF800000> : vector<1xf32>
    %reduce_max3A_54 = vector.multi_reduction <maximumf>, %reduce_max3A_52, %reduce_max3A_53 [1] : vector<1x2048xf32> to vector<1xf32>
    %reduce_max3A_55 = vector.shape_cast %reduce_max3A_54 : vector<1xf32> to vector<1x1xf32>
    %reduce_max3A_56 = vector.extract %reduce_max3A_55[0, 0] : f32 from vector<1x1xf32>
    %max3A_57 = vector.broadcast %reduce_max3A_56 : f32 to vector<8x128xf32>
    %max3A_58 = arith.maximumf %get3A_51, %max3A_57 : vector<8x128xf32>
    %swap3A_59 = arith.constant 0 : index
    %swap3A_60 = arith.constant 0 : index
    %swap3A_61 = vector.load %arg7[%swap3A_59, %swap3A_60] : memref<8x128xf32, #tpu.memory_space<vmem>>, vector<8x128xf32>
    tpu.vector_store %arg7[%swap3A_59, %swap3A_60], %max3A_58 {strides = array<i32>} : memref<8x128xf32, #tpu.memory_space<vmem>>, vector<8x128xf32>,
    return
  }
  func.func @transform_0(%arg0: i32) -> (i32, i32) {
    %c0_i32 = arith.constant 0 : i32
    %c0_i32_0 = arith.constant 0 : i32
    return %arg0, %c0_i32 : i32, i32
  }
  func.func @transform_1(%arg0: i32) -> (i32, i32) {
    %c0_i32 = arith.constant 0 : i32
    %c0_i32_0 = arith.constant 0 : i32
    %c0_i32_1 = arith.constant 0 : i32
    return %c0_i32, %c0_i32_0 : i32, i32
  }
  func.func @transform_2(%arg0: i32) -> (i32, i32) {
    %c0_i32 = arith.constant 0 : i32
    %c0_i32_0 = arith.constant 0 : i32
    %c0_i32_1 = arith.constant 0 : i32
    return %c0_i32, %c0_i32_0 : i32, i32
  }
  func.func @transform_3(%arg0: i32) -> (i32, i32) {
    %c0_i32 = arith.constant 0 : i32
    %c0_i32_0 = arith.constant 0 : i32
    return %arg0, %c0_i32 : i32, i32
  }
  func.func @transform_4(%arg0: i32) -> (i32, i32, i32) {
    %c0_i32 = arith.constant 0 : i32
    %c0_i32_0 = arith.constant 0 : i32
    %c0_i32_1 = arith.constant 0 : i32
    return %c0_i32, %arg0, %c0_i32_0 : i32, i32, i32
  }
  func.func @transform_5(%arg0: i32) -> (i32, i32) {
    %c0_i32 = arith.constant 0 : i32
    %c0_i32_0 = arith.constant 0 : i32
    %c0_i32_1 = arith.constant 0 : i32
    return %c0_i32, %c0_i32_0 : i32, i32
  }
  func.func @transform_6(%arg0: i32) -> (i32, i32) {
    %c0_i32 = arith.constant 0 : i32
    %c0_i32_0 = arith.constant 0 : i32
    %c0_i32_1 = arith.constant 0 : i32
    return %c0_i32, %c0_i32_0 : i32, i32
  }
}

module attributes {stable_mosaic.version = 14 : i64} {
  func.func @_finish_body(%arg0: i32, %arg1: memref<2x2048x128xf32, #tpu.memory_space<vmem>>, %arg2: memref<2048x1xf32, #tpu.memory_space<vmem>>, %arg3: memref<2048x128xf32, #tpu.memory_space<vmem>>) attributes {dimension_semantics = [#tpu.dimension_semantics<arbitrary>], iteration_bounds = array<i64: 5>, scalar_prefetch = 0 : i64, scratch_operands = 0 : i64, tpu.core_type = #tpu.core_type<tc>, window_params = [{transform_indices = @transform_0, window_bounds = array<i64: 2, 2048, 128>}, {transform_indices = @transform_1, window_bounds = array<i64: 2048, 1>}, {transform_indices = @transform_2, window_bounds = array<i64: 2048, 128>}]} {
    %get3A = arith.constant 0 : index
    %get3A_0 = arith.constant 0 : index
    %get3A_1 = arith.constant 0 : index
    %get3A_2 = vector.load %arg1[%get3A, %get3A_0, %get3A_1] : memref<2x2048x128xf32, #tpu.memory_space<vmem>>, vector<1x2048x128xf32>
    %get3A_3 = vector.shape_cast %get3A_2 : vector<1x2048x128xf32> to vector<2048x128xf32>
    %get3A_4 = arith.constant 1 : index
    %get3A_5 = arith.constant 0 : index
    %get3A_6 = arith.constant 0 : index
    %get3A_7 = vector.load %arg1[%get3A_4, %get3A_5, %get3A_6] : memref<2x2048x128xf32, #tpu.memory_space<vmem>>, vector<1x2048x128xf32>
    %get3A_8 = vector.shape_cast %get3A_7 : vector<1x2048x128xf32> to vector<2048x128xf32>
    %add3A = arith.addf %get3A_3, %get3A_8 : vector<2048x128xf32>
    %get3A_9 = arith.constant 0 : index
    %get3A_10 = arith.constant 0 : index
    %get3A_11 = vector.load %arg2[%get3A_9, %get3A_10] : memref<2048x1xf32, #tpu.memory_space<vmem>>, vector<2048x1xf32>
    %max3A = arith.constant 1.000000e-16 : f32
    %max3A_12 = vector.broadcast %max3A : f32 to vector<2048x1xf32>
    %max3A_13 = arith.maximumf %get3A_11, %max3A_12 : vector<2048x1xf32>
    %div3A = vector.broadcast %max3A_13 : vector<2048x1xf32> to vector<2048x128xf32>
    %div3A_14 = arith.divf %add3A, %div3A : vector<2048x128xf32>
    %swap3A = arith.constant 0 : index
    %swap3A_15 = arith.constant 0 : index
    %swap3A_16 = vector.load %arg3[%swap3A, %swap3A_15] : memref<2048x128xf32, #tpu.memory_space<vmem>>, vector<2048x128xf32>
    tpu.vector_store %arg3[%swap3A, %swap3A_15], %div3A_14 {strides = array<i32>} : memref<2048x128xf32, #tpu.memory_space<vmem>>, vector<2048x128xf32>,
    return
  }
  func.func @transform_0(%arg0: i32) -> (i32, i32, i32) {
    %c0_i32 = arith.constant 0 : i32
    %c0_i32_0 = arith.constant 0 : i32
    %c0_i32_1 = arith.constant 0 : i32
    return %c0_i32, %arg0, %c0_i32_0 : i32, i32, i32
  }
  func.func @transform_1(%arg0: i32) -> (i32, i32) {
    %c0_i32 = arith.constant 0 : i32
    %c0_i32_0 = arith.constant 0 : i32
    return %arg0, %c0_i32 : i32, i32
  }
  func.func @transform_2(%arg0: i32) -> (i32, i32) {
    %c0_i32 = arith.constant 0 : i32
    %c0_i32_0 = arith.constant 0 : i32
    return %arg0, %c0_i32 : i32, i32
  }
}

</mosaic_0001>

<sc_bundles>
// kernel: kernel.6.cloned.1.call-start
scs
__scs_entry_jumppad:
0x0: {  	(pc) =	sbr.rel $0x88, $3  }
0x1: {  	(tag) =	ssettag $0x0;
	lr =	simm.s32 $0x1  }
0x2: {  	[smem:$0x3F9C] =	sst lr;
	_ =	strace $0xD0000000  }
0x3: {  	_ = 	snop  }
0x4: {  	_ = 	snop  }
0x5: {  	_ = 	snop  }
0x6: {  	_ = 	snop  }
0x7: {  	_ = 	snop  }
__scs_overlays_trampoline_lowered:
0x8: {  	[smem:$0x3FAB] =	sst s0  }
0x9: {  	[smem:$0x3FAC] =	sst s1  }
0xa: {  	[smem:$0x3FAD] =	sst s2  }
0xb: {  	[smem:$0x3FAE] =	sst s3  }
0xc: {  	[smem:$0x3FAF] =	sst s4  }
0xd: {  	[smem:$0x3FB0] =	sst s5  }
0xe: {  	[smem:$0x3FB1] =	sst s6  }
0xf: {  	[smem:$0x3FB2] =	sst s7  }
0x10: {  	[smem:$0x3FB3] =	sst s8  }
0x11: {  	[smem:$0x3FB4] =	sst s9;
	s0 =	simm.s32 @!p0 $0x0  }
0x12: {  	s1 =	sld [smem:$0x3F9A];
	s0 =	simm.s32 @p0 $0x1  }
0x13: {  	[smem:$0x3FB5] =	sst s0;
	s0 =	simm.s32 @!p1 $0x0  }
0x14: {  	s2 =	sld [smem:$0x3F99];
	s0 =	simm.s32 @p1 $0x1  }
0x15: {  	[smem:$0x3FB6] =	sst s0;
	s0 =	simm.s32 @!p2 $0x0  }
0x16: {  	s3 =	sld [smem:$0x3FDB];
	s0 =	simm.s32 @p2 $0x1  }
0x17: {  	s4 =	simm.s32 $0x1BF5;
	[smem:$0x3FB8] =	sst s0  }
0x18: {  	s0 =	sld [smem:$0x3F9B];
	_ =	swait.ge [sflag:s4], $0x0  }
0x19: {  	s7 =	sld [smem:$0x3F9C]  }
0x1a: {  	s8 =	sadd.s32 $0xFFFFE003, lr  }
0x1b: {  	s9 =	sadd.s32 $0xFFFFFEF7, lr;
	s5 =	simm.s32 $0xFFFFFFFF;
	p2 =	slt.u32 s8, $0xFFFFF086  }
0x1c: {  	p1 =	slt.u32 s9, $0xF7A;
	s5 =	simm.s32 @!p2 $0x0  }
0x1d: {  	s5 =	simm.s32 @p1 $0x1;
	p0 =	seq.s32 s7, s2  }
0x1e: {  	s7 =	smul.u32 @!p0 $0xF7A, s2;
	p2 =	seq.s32 @!p0 s5, $0x0  }
0x1f: {  	s9 =	smul.u32 $0xF7A, s1;
	s8 =	simm.s32 @!p0 $0x1BF5;
	p2 =	por !p2, p0  }
0x20: {  	[sflag:s8] =	ssyncset.s32 @!p0 $0xFFFFF086;
	s6 =	sadd.s32 @!p0 s3, s7;
	s7 =	simm.s32 @!p0 $0x108  }
0x21: {  	s3 =	sadd.s32 s3, s9;
	s6 =	sadd.s32 @!p0 $0x88, s6;
	s7 =	simm.s32 @p2 $0x1082  }
0x22: {  	[simem:s7], [sflag:s8] =	dma.local @!p0 [hbm:s6], $0xF7A  }
0x23: {  	s9 =	sor.u32 $0xD0000000, s2;
	s6 =	simm.s32 $0x108;
	_ =	swait.ge @!p0 [sflag:s8], $0x0  }
0x24: {  	s3 =	sadd.s32 $0x88, s3;
	s6 =	simm.s32 @!p1 $0x1082;
	[sflag:s4] =	ssyncset.s32 $0xFFFFF086  }
0x25: {  	[simem:s6], [sflag:s4] =	dma.local [hbm:s3], $0xF7A  }
0x26: {  	[smem:$0x3F9C] =	sst s1;
	(tag) =	ssettag s2;
	_ =	strace s9  }
0x27: {  	s1 =	sld [smem:$0x3FAC]  }
0x28: {  	s2 =	sld [smem:$0x3FAD]  }
0x29: {  	s4 =	sld [smem:$0x3FAF]  }
0x2a: {  	p0 =	seq.s32 s5, $0x0;
	s5 =	sld [smem:$0x3FB0]  }
0x2b: {  	s6 =	sld [smem:$0x3FB1]  }
0x2c: {  	s7 =	sld [smem:$0x3FB2]  }
0x2d: {  	s3 =	simm.s32 $0x108;
	s8 =	sld [smem:$0x3FB3]  }
0x2e: {  	s3 =	simm.s32 @!p0 $0x1082;
	s9 =	sld [smem:$0x3FB4]  }
0x2f: {  	lr =	sadd.s32 s0, s3;
	s0 =	sld [smem:$0x3FAB]  }
0x30: {  	s3 =	sld [smem:$0x3FAE]  }
0x31: {  	[smem:$0x3FB7] =	sst s10  }
0x32: {  	s10 =	sld [smem:$0x3FB5];
	_ =	sdelay $0x3  }
0x33: {  	p0 =	seq.s32 s10, $0x1;
	s10 =	sld [smem:$0x3FB7];
	_ =	sdelay $0x3  }
0x34: {  	[smem:$0x3FB7] =	sst s10  }
0x35: {  	s10 =	sld [smem:$0x3FB6];
	_ =	sdelay $0x3  }
0x36: {  	p1 =	seq.s32 s10, $0x1;
	s10 =	sld [smem:$0x3FB7];
	_ =	sdelay $0x3  }
0x37: {  	[smem:$0x3FB7] =	sst s10  }
0x38: {  	s10 =	sld [smem:$0x3FB8]  }
0x39: {  	_ = 	snop;
	(pc) =	sbr.ind lr, $3  }
0x3a: {  	_ = 	snop  }
0x3b: {  	_ = 	snop  }
0x3c: {  	p2 =	seq.s32 s10, $0x1;
	s10 =	sld [smem:$0x3FB7]  }
0x3d: {  	_ =	shalt  }
0x3e: {  	_ =	shalt  }
0x3f: {  	_ =	shalt  }
0x40: {  	_ =	shalt  }
0x41: {  	_ =	shalt  }
0x42: {  	_ =	shalt  }
0x43: {  	_ =	shalt  }
0x44: {  	_ =	shalt  }
0x45: {  	_ =	shalt  }
0x46: {  	_ =	shalt  }
0x47: {  	_ =	shalt  }
0x48: {  	_ =	shalt  }
0x49: {  	_ =	shalt  }
0x4a: {  	_ =	shalt  }
0x4b: {  	_ =	shalt  }
0x4c: {  	_ =	shalt  }
0x4d: {  	_ =	shalt  }
0x4e: {  	_ =	shalt  }
0x4f: {  	_ =	shalt  }
0x50: {  	_ =	shalt  }
0x51: {  	_ =	shalt  }
0x52: {  	_ =	shalt  }
0x53: {  	_ =	shalt  }
0x54: {  	_ =	shalt  }
0x55: {  	_ =	shalt  }
0x56: {  	_ =	shalt  }
0x57: {  	_ =	shalt  }
0x58: {  	_ =	shalt  }
0x59: {  	_ =	shalt  }
0x5a: {  	_ =	shalt  }
0x5b: {  	_ =	shalt  }
0x5c: {  	_ =	shalt  }
0x5d: {  	_ =	shalt  }
0x5e: {  	_ =	shalt  }
0x5f: {  	_ =	shalt  }
0x60: {  	_ =	shalt  }
0x61: {  	_ =	shalt  }
0x62: {  	_ =	shalt  }
0x63: {  	_ =	shalt  }
0x64: {  	_ =	shalt  }
0x65: {  	_ =	shalt  }
0x66: {  	_ =	shalt  }
0x67: {  	_ =	shalt  }
0x68: {  	_ =	shalt  }
0x69: {  	_ =	shalt  }
0x6a: {  	_ =	shalt  }
0x6b: {  	_ =	shalt  }
0x6c: {  	_ =	shalt  }
0x6d: {  	_ =	shalt  }
0x6e: {  	_ =	shalt  }
0x6f: {  	_ =	shalt  }
0x70: {  	_ =	shalt  }
0x71: {  	_ =	shalt  }
0x72: {  	_ =	shalt  }
0x73: {  	_ =	shalt  }
0x74: {  	_ =	shalt  }
0x75: {  	_ =	shalt  }
0x76: {  	_ =	shalt  }
0x77: {  	_ =	shalt  }
0x78: {  	_ =	shalt  }
0x79: {  	_ =	shalt  }
0x7a: {  	_ =	shalt  }
0x7b: {  	_ =	shalt  }
0x7c: {  	_ =	shalt  }
0x7d: {  	_ =	shalt  }
0x7e: {  	_ =	shalt  }
0x7f: {  	_ =	shalt  }
0x80: {  	_ =	shalt  }
0x81: {  	_ =	shalt  }
0x82: {  	_ =	shalt  }
0x83: {  	_ =	shalt  }
0x84: {  	_ =	shalt  }
0x85: {  	_ =	shalt  }
0x86: {  	_ =	shalt  }
0x87: {  	_ =	shalt  }
.Lfunc_end0:
.L_simem_size_0:
called_computation_lowered:
.L_overlay_start_0:
0x88: {  	s2 =	sld [smem:$0x3FD9]  }
0x89: {  	s3 =	sld [smem:$0x3FFE];
	_ =	sdelay $0x1  }
0x8a: {  	s1 =	srdreg.scid  }
0x8b: {  	s0 =	sand.u32 $0x1, s1  }
0x8c: {  	s17 =	sshll.u32 s0, $0xA;
	s2 =	sadd.s32 s3, s2  }
0x8d: {  	s2 =	sadd.s32 s2, s17  }
0x8e: {  	[smem:$0x3FC3] =	sst s2  }
0x8f: {  	_ = 	snop  }
0x90: {  	s2 =	sld [smem:$0x3FD0];
	(tm) =	ssettm $0x1  }
0x91: {  	s18 =	sld [smem:$0x3FFB];
	_ =	sdelay $0x3  }
0x92: {  	_ =	strace s18  }
0x93: {  	s3 =	sld [smem:$0x3FFC];
	_ =	sdelay $0x3  }
0x94: {  	_ =	strace s3  }
0x95: {  	s3 =	sld [smem:$0x3FFD];
	_ =	sdelay $0x3  }
0x96: {  	_ =	strace s3  }
0x97: {  	_ =	strace $0x8FFFFFFF  }
0x98: {  	s19 =	sld [smem:$0x3FDB];
	_ =	sdelay $0x1  }
0x99: {  	s4 =	simm.s32 $_scs_section_size  }
0x9a: {  	s5 =	simm.s32 $_size__tile_overlayer_lowered;
	s6 =	simm.s32 $_tile_overlayer_lowered  }
0x9b: {  	s22 =	simm.s32 $0x1BFF;
	s21 =	sshll.u32 s6, $0x1;
	s3 =	sadd.s32 s4, s19  }
0x9c: {  	s7 =	simm.s32 $0x0;
	s20 =	sshll.u32 s5, $0x1;
	s5 =	sadd.s32 s21, s3  }
0x9d: {  	[timem:s7], [sflag:s22] =	dma.local [hbm:s5], s20  }
0x9e: {  	_ =	swait.ge [sflag:s22], s20  }
0x9f: {  	s4 =	ssub.s32 $0x0, s20;
	[sflag:s22] =	ssyncset.done $0x0  }
0xa0: {  	[sflag:s22] =	ssyncadd.s32 s4;
	_ =	sdelay $0x1  }
0xa1: {  	s23 =	simm.s32 $0x1B8B  }
0xa2: {  	_ =	swait.ge [sflag:s23], $0x1  }
0xa3: {  	[sflag:s23] =	ssyncset.done $0x0  }
0xa4: {  	s25 =	simm.s32 $0x1B8E;
	s24 =	sld [smem:$0x3FFE];
	[sflag:s23] =	ssyncadd.s32 $0xFFFFFFFF  }
0xa5: {  	s26 =	simm.s32 $execute0_lowered;
	[smem:$0x3FD2] =	sst s25  }
0xa6: {  	s5 =	sshll.u32 s26, $0x1;
	_ =	strace $0x80000046;
	[dreg:$0x1] =	wrdreg $0xFFFFFFFF  }
0xa7: {  	s28 =	simm.s32 $_size_execute0_lowered;
	s3 =	sadd.s32 s3, s5;
	[dreg:$0x0] =	wrdreg $0x0  }
0xa8: {  	s5 =	sshll.u32 s28, $0x1;
	[dreg:$0x2] =	wrdreg s3  }
0xa9: {  	[dreg:$0x3] =	wrdreg s5  }
0xaa: {  	[dreg:$0x4] =	wrdreg $0xC0  }
0xab: {  	_ =	task [dreg:s7], $0x5FFFF  }
0xac: {  	[dreg:$0x1] =	wrdreg $0xFFFFFFFF  }
0xad: {  	[dreg:$0x0] =	wrdreg $0x60  }
0xae: {  	[dreg:$0x2] =	wrdreg s24  }
0xaf: {  	[dreg:$0x3] =	wrdreg s2  }
0xb0: {  	[dreg:$0x4] =	wrdreg $0xA2800  }
0xb1: {  	[dreg:$0x5] =	wrdreg $0x9  }
0xb2: {  	_ =	task.clear_ibuf [dreg:s7], $0x6FFFF;
	_ =	strace $0x90000046  }
0xb3: {  	s29 =	simm.s32 $0x9;
	_ =	strace $0x80000048  }
0xb4: {  	_ =	swait.ge [sflag:s29], $0x1  }
0xb5: {  	[sflag:s29] =	ssyncadd.s32 $0xFFFFFFFF  }
0xb6: {  	_ =	strace $0x90000048  }
0xb7: {  	_ =	sfence  }
0xb8: {  	s30 =	sld [smem:$0x0];
	_ =	sdelay $0x2  }
0xb9: {  	s31 =	sshll.u32 s1, $0xD;
	s1 =	sshrl.u32 s1, $0x2  }
0xba: {  	s3 =	sand.u32 $0x4000, s31;
	s1 =	sadd.s32 s1, s30  }
0xbb: {  	s0 =	sor.u32 s3, s0;
	s1 =	sshll.u32 s1, $0x11  }
0xbc: {  	s0 =	sor.u32 s1, s0  }
0xbd: {  	s0 =	sadd.s32 $0x8F2B, s0  }
0xbe: {  	[sflag:s0] =	ssyncadd.remote.s32 $0x1  }
0xbf: {  	_ =	sfence.sel $0xFFFF  }
0xc0: {  	[dreg:$0x0] =	wrdreg $0xFFFFFFFF;
	(pc) =	sbr.abs _section_cstart, $3  }
0xc1: {  	[dreg:$0x1] =	wrdreg $0xFFFFFFFF  }
0xc2: {  	_ =	task.clear_ibuf [dreg:s7], $0x2FFFF;
	_ =	strace $0x9FFFFFFF  }
0xc3: {  	(tm) =	ssettm $0x7FFFFFFF  }
tec
execute0_lowered:
.L_overlay_start_1:
0x0: {  	(tag) =	ssettag $0x1  }
0x1: {  	s0 =	rddreg [dreg:$0x0]  }
0x2: {  	s2 =	rddreg [dreg:$0x1]  }
0x3: {  	s1 =	rddreg [dreg:$0x2];
	s3 =	simm.s32 $0x0;
	s23 =	srdreg.scid  }
0x4: {  	s17 =	stileid.u32;
	s31 =	simm.s32 $0x5280;
	[smem:$0x7FF] =	sst s3  }
0x5: {  	s3 =	sand.u32 $0x1, s23;
	s4 =	sadd.s32 $0x15000, s0;
	s7 =	smul.u32 $0x14000, s17  }
0x6: {  	s8 =	sadd.s32 $0x3D400, s0;
	s9 =	sadd.s32 $0x3DE00, s0;
	s23 =	smul.u32 $0x50000, s17  }
0x7: {  	_ =	strace $0x80000047;
	s5 =	sshll.u32 s3, $0x4;
	s6 =	smul.u32 $0x140000, s3  }
0x8: {  	[dreg:$0x4] =	wrdreg s8;
	s3 =	ssub.s32 $0x2, s3;
	s5 =	sor.u32 s17, s5  }
0x9: {  	s10 =	sshrl.u32 s3, $0x1;
	s8 =	sadd.s32 $0x5000, s7;
	s13 =	sadd.s32 $0xC800, s7  }
0xa: {  	s14 =	sadd.s32 $0xF000, s7;
	s17 =	sadd.s32 $0xB200, s0;
	s24 =	smul.u32 $0x500, s5  }
0xb: {  	s11 =	sadd.s32 s6, s7;
	s3 =	ssub.s32 s3, s10;
	s10 =	sadd.s32 $0x7800, s7  }
0xc: {  	s26 =	sadd.s32 s6, s8;
	s20 =	sadd.s32 s6, s13;
	s21 =	sadd.s32 s6, s14  }
0xd: {  	s28 =	sadd.s32 s13, s1;
	s29 =	sadd.s32 s14, s1;
	s25 =	sshrl.u32 s11, $0x3  }
0xe: {  	s11 =	sadd.s32 $0xA000, s7;
	s15 =	sadd.s32 s6, s10;
	s22 =	sshrl.u32 s21, $0x3  }
0xf: {  	s3 =	smax.u32 s3, $0x1;
	s2 =	sadd.s32 s2, s24;
	s16 =	sadd.s32 s6, s11  }
0x10: {  	s15 =	sshrl.u32 s15, $0x3;
	s24 =	sadd.s32 $0x3D000, s0;
	[dreg:$0x11] =	wrdreg s3  }
0x11: {  	s3 =	simm.s32 $0x100;
	[dreg:$0x5] =	wrdreg s2;
	s2 =	sadd.s32 s9, s25  }
0x12: {  	s18 =	sshrl.u32 s16, $0x3;
	[dreg:$0xe] =	wrdreg s24;
	s25 =	sadd.s32 $0x3D200, s0  }
0x13: {  	s24 =	sadd.s32 s8, s1;
	s8 =	simm.s32 $0x50;
	[dreg:$0x6] =	wrdreg s2  }
0x14: {  	s2 =	sor.u32 $0x2800, s7;
	s7 =	sadd.s32 $0x11800, s7;
	s19 =	sadd.s32 s9, s18  }
0x15: {  	[dreg:$0xf] =	wrdreg s25;
	s18 =	sadd.s32 $0x1400, s0;
	s0 =	sadd.s32 $0x3D410, s0  }
0x16: {  	s25 =	sadd.s32 s10, s1;
	s10 =	simm.s32 $0x7A80;
	[dreg:$0xa] =	wrdreg s19  }
0x17: {  	s12 =	sadd.s32 s6, s2;
	s6 =	sadd.s32 s6, s7;
	[dreg:$0x10] =	wrdreg s0  }
0x18: {  	s30 =	sadd.s32 s7, s1;
	s0 =	simm.s32 $0x2;
	s12 =	sshrl.u32 s12, $0x3  }
0x19: {  	s7 =	simm.s32 $0x5180;
	s6 =	sshrl.u32 s6, $0x3;
	s12 =	sadd.s32 s9, s12  }
0x1a: {  	s6 =	sadd.s32 s9, s6;
	[dreg:$0x7] =	wrdreg s12;
	s12 =	sshrl.u32 s26, $0x3  }
0x1b: {  	[dreg:$0xd] =	wrdreg s6;
	s26 =	sshrl.u32 s23, $0x2;
	s12 =	sadd.s32 s9, s12  }
0x1c: {  	s23 =	sadd.s32 s2, s1;
	[dreg:$0x8] =	wrdreg s12;
	s12 =	sadd.s32 s9, s15  }
0x1d: {  	s2 =	simm.s32 $0x80;
	[dreg:$0x9] =	wrdreg s12;
	s12 =	sshrl.u32 s20, $0x3  }
0x1e: {  	s6 =	simm.s32 $0x5100;
	s20 =	smul.u32 $0x2710, s5;
	s12 =	sadd.s32 s9, s12  }
0x1f: {  	s5 =	simm.s32 $0x2800;
	[dreg:$0xb] =	wrdreg s12;
	s12 =	sadd.s32 s9, s22  }
0x20: {  	s22 =	sadd.s32 s26, s1;
	s26 =	sadd.s32 s11, s1;
	s9 =	simm.s32 $0x1  }
0x21: {  	v0 =	vimm.f32 $0.0e+00;
	s11 =	simm.s32 $0x5200;
	[dreg:$0xc] =	wrdreg s12;
	s12 =	simm.s32 $0x0  }
.LBB2_1:
0x22: {  	s13 =	simm.s32 $0x0;
	s14 =	simm.s32 $0x200  }
.LBB2_2:
0x23: {  	p0 =	sne.s32 s14, $0x9E00;
	[tilespmem:s13+$0x52F0] =	vst v0  }
0x24: {  	[tilespmem:s13+$0x5280] =	vst v0  }
0x25: {  	[tilespmem:s13+$0x5290] =	vst v0  }
.Ltmp0:
0x26: {  	[tilespmem:s13+$0x52A0] =	vst v0;
	(pc) =	sbr.rel @p0 .LBB2_2-.Ltmp0, $4  }
0x27: {  	[tilespmem:s13+$0x52B0] =	vst v0  }
0x28: {  	[tilespmem:s13+$0x52C0] =	vst v0  }
0x29: {  	[tilespmem:s13+$0x52D0] =	vst v0  }
0x2a: {  	[tilespmem:s13+$0x52E0] =	vst v0;
	s13 =	sshra.s32 s14, $0x2;
	s14 =	sadd.s32 $0x200, s14  }
0x2b: {  	[tilespmem:s13+$0x52F0] =	vst v0  }
0x2c: {  	[tilespmem:s13+$0x5280] =	vst v0  }
0x2d: {  	[tilespmem:s13+$0x5290] =	vst v0  }
0x2e: {  	[tilespmem:s13+$0x52A0] =	vst v0  }
0x2f: {  	[tilespmem:s13+$0x52B0] =	vst v0  }
0x30: {  	[tilespmem:s13+$0x52C0] =	vst v0  }
0x31: {  	[tilespmem:s13+$0x52D0] =	vst v0  }
0x32: {  	[tilespmem:s13+$0x52E0] =	vst v0;
	s13 =	simm.s32 $0x0;
	s14 =	simm.s32 $0x200  }
.LBB2_4:
0x33: {  	p0 =	sne.s32 s14, $0x9E00;
	[tilespmem:s13+$0x7AF0] =	vst v0  }
0x34: {  	[tilespmem:s13+$0x7A80] =	vst v0  }
0x35: {  	[tilespmem:s13+$0x7A90] =	vst v0  }
.Ltmp1:
0x36: {  	[tilespmem:s13+$0x7AA0] =	vst v0;
	(pc) =	sbr.rel @p0 .LBB2_4-.Ltmp1, $4  }
0x37: {  	[tilespmem:s13+$0x7AB0] =	vst v0  }
0x38: {  	[tilespmem:s13+$0x7AC0] =	vst v0  }
0x39: {  	[tilespmem:s13+$0x7AD0] =	vst v0  }
0x3a: {  	[tilespmem:s13+$0x7AE0] =	vst v0;
	s13 =	sshra.s32 s14, $0x2;
	s14 =	sadd.s32 $0x200, s14  }
0x3b: {  	[tilespmem:s13+$0x7AF0] =	vst v0  }
0x3c: {  	[tilespmem:s13+$0x7A80] =	vst v0  }
0x3d: {  	[tilespmem:s13+$0x7A90] =	vst v0  }
0x3e: {  	[tilespmem:s13+$0x7AA0] =	vst v0  }
0x3f: {  	[tilespmem:s13+$0x7AB0] =	vst v0  }
0x40: {  	[tilespmem:s13+$0x7AC0] =	vst v0  }
0x41: {  	[tilespmem:s13+$0x7AD0] =	vst v0  }
0x42: {  	[tilespmem:s13+$0x7AE0] =	vst v0  }
0x43: {  	[spmem:s22] =	stream.linear.scatter [tilespmem:s31], [sflag:$0x2], $0x2800, $0x38;
	[tilespmem:$0x1E280] =	vst v63  }
0x44: {  	_ =	swait.ge [sflag:s0], $0x2800  }
0x45: {  	[sflag:s0] =	ssyncset.done $0x0  }
0x46: {  	[sflag:s0] =	ssyncadd.s32 $0xFFFFD800  }
0x47: {  	[spmem:s23] =	stream.linear.scatter [tilespmem:s31], [sflag:$0x2], $0x2800, $0x38;
	[tilespmem:$0x1E280] =	vst v63  }
0x48: {  	_ =	swait.ge [sflag:s0], $0x2800  }
0x49: {  	[sflag:s0] =	ssyncset.done $0x0  }
0x4a: {  	[sflag:s0] =	ssyncadd.s32 $0xFFFFD800  }
0x4b: {  	[spmem:s24] =	stream.linear.scatter [tilespmem:s31], [sflag:$0x2], $0x2800, $0x38;
	[tilespmem:$0x1E280] =	vst v63  }
0x4c: {  	_ =	swait.ge [sflag:s0], $0x2800  }
0x4d: {  	[sflag:s0] =	ssyncset.done $0x0  }
0x4e: {  	[sflag:s0] =	ssyncadd.s32 $0xFFFFD800  }
0x4f: {  	[spmem:s25] =	stream.linear.scatter [tilespmem:s31], [sflag:$0x2], $0x2800, $0x38;
	[tilespmem:$0x1E280] =	vst v63  }
0x50: {  	_ =	swait.ge [sflag:s0], $0x2800  }
0x51: {  	[sflag:s0] =	ssyncset.done $0x0  }
0x52: {  	[sflag:s0] =	ssyncadd.s32 $0xFFFFD800  }
0x53: {  	[spmem:s26] =	stream.linear.scatter [tilespmem:s31], [sflag:$0x2], $0x2800, $0x38;
	[tilespmem:$0x1E280] =	vst v63  }
0x54: {  	_ =	swait.ge [sflag:s0], $0x2800  }
0x55: {  	[sflag:s0] =	ssyncset.done $0x0  }
0x56: {  	[sflag:s0] =	ssyncadd.s32 $0xFFFFD800  }
0x57: {  	[spmem:s28] =	stream.linear.scatter [tilespmem:s31], [sflag:$0x2], $0x2800, $0x38;
	[tilespmem:$0x1E280] =	vst v63  }
0x58: {  	_ =	swait.ge [sflag:s0], $0x2800  }
0x59: {  	[sflag:s0] =	ssyncset.done $0x0  }
0x5a: {  	[sflag:s0] =	ssyncadd.s32 $0xFFFFD800  }
0x5b: {  	[spmem:s29] =	stream.linear.scatter [tilespmem:s31], [sflag:$0x2], $0x2800, $0x38;
	[tilespmem:$0x1E280] =	vst v63  }
0x5c: {  	_ =	swait.ge [sflag:s0], $0x2800  }
0x5d: {  	[sflag:s0] =	ssyncset.done $0x0  }
0x5e: {  	[sflag:s0] =	ssyncadd.s32 $0xFFFFD800  }
0x5f: {  	[spmem:s30] =	stream.linear.scatter [tilespmem:s31], [sflag:$0x2], $0x2800, $0x38;
	[tilespmem:$0x1E280] =	vst v63  }
0x60: {  	_ =	swait.ge [sflag:s0], $0x2800  }
0x61: {  	[sflag:s0] =	ssyncset.done $0x0  }
0x62: {  	s13 =	simm.s32 $0x0;
	s14 =	rddreg [dreg:$0x4];
	[sflag:s0] =	ssyncadd.s32 $0xFFFFD800  }
0x63: {  	[tilespmem:s13], [sflag:$0x2] =	stream.strided.gather [hbm4b:s14+s2], $0x2800, s3, s2, $0x38;
	[tilespmem:$0x1E280] =	vst v63  }
0x64: {  	_ =	swait.ge [sflag:s0], $0x2800  }
0x65: {  	[sflag:s0] =	ssyncset.done $0x0  }
0x66: {  	s15 =	rddreg [dreg:$0x10];
	[sflag:s0] =	ssyncadd.s32 $0xFFFFD800  }
0x67: {  	[tilespmem:s5], [sflag:$0x2] =	stream.strided.gather [hbm4b:s15+s2], $0x2800, s3, s2, $0x38;
	[tilespmem:$0x1E280] =	vst v63  }
0x68: {  	_ =	swait.ge [sflag:s0], $0x2800  }
0x69: {  	[sflag:s0] =	ssyncset.done $0x0  }
0x6a: {  	s15 =	simm.s32 $0x5000;
	s16 =	rddreg [dreg:$0xe];
	[sflag:s0] =	ssyncadd.s32 $0xFFFFD800  }
0x6b: {  	[tilespmem:s15], [sflag:$0x2] =	stream.linear.gather [hbm4b:s16+s13], $0x10, $0x38;
	[tilespmem:$0x1E280] =	vst v63  }
0x6c: {  	_ =	swait.ge [sflag:s0], $0x10  }
0x6d: {  	[sflag:s0] =	ssyncset.done $0x0  }
0x6e: {  	s21 =	simm.s32 $0x5080;
	s19 =	rddreg [dreg:$0xf];
	[sflag:s0] =	ssyncadd.s32 $0xFFFFFFF0  }
0x6f: {  	[tilespmem:s21], [sflag:$0x2] =	stream.linear.gather [hbm4b:s19+s13], $0x10, $0x38;
	[tilespmem:$0x1E280] =	vst v63  }
0x70: {  	_ =	swait.ge [sflag:s0], $0x10  }
0x71: {  	[sflag:s0] =	ssyncset.done $0x0  }
0x72: {  	[sflag:s0] =	ssyncadd.s32 $0xFFFFFFF0  }
0x73: {  	v1 =	vld [tilespmem:$0x5000]  }
0x74: {  	v2 =	vld [tilespmem:$0x5080];
	_ =	sdelay $0x4  }
0x75: {  	v1 =	vadd.f32 v2, v1;
	_ =	sdelay $0x1  }
0x76: {  	v2 =	vmul.f32 $2.000000030e-01, v1  }
0x77: {  	vm0 =	vge.f32 v1, $0.0e+00  }
0x78: {  	v1 =	vsel vm0, v1, v2  }
0x79: {  	[tilespmem:$0x5000] =	vst v1  }
0x7a: {  	s14 =	simm.s32 $0x0;
	[bflag:$0x0] =	sbarrier.arrive $0xFFFF  }
.LBB2_6:
0x7b: {  	s15 =	smul.u32 $0x50, s14;
	_ =	sdelay $0x1  }
0x7c: {  	s15 =	sadd.s32 s20, s15  }
0x7d: {  	s15 =	sshrl.u32 s15, $0x3  }
0x7e: {  	s16 =	sadd.s32 s17, s15  }
0x7f: {  	[tilespmem:s6], [sflag:$0x2] =	stream.linear.gather [hbm4b:s16+s13], $0x50, $0x38;
	[tilespmem:$0x1E280] =	vst v63  }
0x80: {  	_ =	swait.ge [sflag:s0], $0x50  }
0x81: {  	[sflag:s0] =	ssyncset.done $0x0  }
0x82: {  	s15 =	sadd.s32 s18, s15;
	[sflag:s0] =	ssyncadd.s32 $0xFFFFFFB0  }
0x83: {  	[tilespmem:s7], [sflag:$0x2] =	stream.linear.gather [hbm4b:s15+s13], $0x50, $0x38;
	[tilespmem:$0x1E280] =	vst v63  }
0x84: {  	_ =	swait.ge [sflag:s0], $0x50  }
0x85: {  	[sflag:s0] =	ssyncset.done $0x0  }
0x86: {  	[sflag:s0] =	ssyncadd.s32 $0xFFFFFFB0  }
0x87: {  	[tilespmem:s31], [sflag:$0x1] =	stream.indirect.gather [hbm4b:s4+s8], $0x80, s6, s8, $0xb8;
	[tilespmem:$0x1E280] =	vst v63  }
0x88: {  	_ =	swait.ge [sflag:s9], $0x2800  }
0x89: {  	[sflag:s9] =	ssyncset.done $0x0  }
0x8a: {  	[sflag:s9] =	ssyncadd.s32 $0xFFFFD800  }
0x8b: {  	v1 =	vld [tilespmem:$0x5100]  }
0x8c: {  	v2 =	vld [tilespmem:$0x5180];
	_ =	sdelay $0x6  }
0x8d: {  	v1 =	vld.idx.msk [tilespmem:v1+s13+$0x0], $0xffff  }
0x8e: {  	v3 =	vld.idx.msk [tilespmem:v2+s5+$0x0], $0xffff;
	_ =	sdelay $0x4  }
0x8f: {  	v1 =	vadd.f32 v3, v1;
	v3 =	vld [tilespmem:$0x5000];
	_ =	sdelay $0x1  }
0x90: {  	v4 =	vmul.f32 $2.000000030e-01, v1  }
0x91: {  	vm0 =	vge.f32 v1, $0.0e+00  }
0x92: {  	v1 =	vsel vm0, v1, v4  }
0x93: {  	v1 =	vsub.f32 v1, v3;
	_ =	sdelay $0x1  }
0x94: {  	v1 =	vmul.f32 $1.442695020e+00, v1;
	_ =	sdelay $0x1  }
0x95: {  	(erf) = vpow2.f32 v1;
	_ =	sdelay $0x8  }
0x96: {  	v1 =	vpop (erf)  }
0x97: {  	[tilespmem:$0x5200] =	vst v1  }
0x98: {  	[tilespmem:v2+s10+$0x0] =	vst.idx.add.f32.msk $0xffff, v1  }
0x99: {  	v1 =	vld [tilespmem:$0x5110]  }
0x9a: {  	v2 =	vld [tilespmem:$0x5190];
	_ =	sdelay $0x6  }
0x9b: {  	v1 =	vld.idx.msk [tilespmem:v1+s13+$0x0], $0xffff  }
0x9c: {  	v3 =	vld.idx.msk [tilespmem:v2+s5+$0x0], $0xffff;
	_ =	sdelay $0x4  }
0x9d: {  	v1 =	vadd.f32 v3, v1;
	v3 =	vld [tilespmem:$0x5000];
	_ =	sdelay $0x1  }
0x9e: {  	v4 =	vmul.f32 $2.000000030e-01, v1  }
0x9f: {  	vm12 =	vge.f32 v1, $0.0e+00  }
0xa0: {  	v1 =	vsel vm12, v1, v4  }
0xa1: {  	v1 =	vsub.f32 v1, v3;
	_ =	sdelay $0x1  }
0xa2: {  	v1 =	vmul.f32 $1.442695020e+00, v1;
	_ =	sdelay $0x1  }
0xa3: {  	(erf) = vpow2.f32 v1;
	_ =	sdelay $0x8  }
0xa4: {  	v1 =	vpop (erf)  }
0xa5: {  	[tilespmem:$0x5210] =	vst v1  }
0xa6: {  	[tilespmem:v2+s10+$0x0] =	vst.idx.add.f32.msk $0xffff, v1  }
0xa7: {  	v1 =	vld [tilespmem:$0x5120]  }
0xa8: {  	v2 =	vld [tilespmem:$0x51A0];
	_ =	sdelay $0x6  }
0xa9: {  	v1 =	vld.idx.msk [tilespmem:v1+s13+$0x0], $0xffff  }
0xaa: {  	v3 =	vld.idx.msk [tilespmem:v2+s5+$0x0], $0xffff;
	_ =	sdelay $0x4  }
0xab: {  	v1 =	vadd.f32 v3, v1;
	v3 =	vld [tilespmem:$0x5000];
	_ =	sdelay $0x1  }
0xac: {  	v4 =	vmul.f32 $2.000000030e-01, v1  }
0xad: {  	vm13 =	vge.f32 v1, $0.0e+00  }
0xae: {  	v1 =	vsel vm13, v1, v4  }
0xaf: {  	v1 =	vsub.f32 v1, v3;
	_ =	sdelay $0x1  }
0xb0: {  	v1 =	vmul.f32 $1.442695020e+00, v1;
	_ =	sdelay $0x1  }
0xb1: {  	(erf) = vpow2.f32 v1;
	_ =	sdelay $0x8  }
0xb2: {  	v1 =	vpop (erf)  }
0xb3: {  	[tilespmem:$0x5220] =	vst v1  }
0xb4: {  	[tilespmem:v2+s10+$0x0] =	vst.idx.add.f32.msk $0xffff, v1  }
0xb5: {  	v1 =	vld [tilespmem:$0x5130]  }
0xb6: {  	v2 =	vld [tilespmem:$0x51B0];
	_ =	sdelay $0x6  }
0xb7: {  	v1 =	vld.idx.msk [tilespmem:v1+s13+$0x0], $0xffff  }
0xb8: {  	v3 =	vld.idx.msk [tilespmem:v2+s5+$0x0], $0xffff;
	_ =	sdelay $0x4  }
0xb9: {  	v1 =	vadd.f32 v3, v1;
	v3 =	vld [tilespmem:$0x5000];
	_ =	sdelay $0x1  }
0xba: {  	v4 =	vmul.f32 $2.000000030e-01, v1  }
0xbb: {  	vm14 =	vge.f32 v1, $0.0e+00  }
0xbc: {  	v1 =	vsel vm14, v1, v4  }
0xbd: {  	v1 =	vsub.f32 v1, v3;
	_ =	sdelay $0x1  }
0xbe: {  	v1 =	vmul.f32 $1.442695020e+00, v1;
	_ =	sdelay $0x1  }
0xbf: {  	(erf) = vpow2.f32 v1;
	_ =	sdelay $0x8  }
0xc0: {  	v1 =	vpop (erf)  }
0xc1: {  	[tilespmem:$0x5230] =	vst v1  }
0xc2: {  	[tilespmem:v2+s10+$0x0] =	vst.idx.add.f32.msk $0xffff, v1  }
0xc3: {  	v1 =	vld [tilespmem:$0x5140]  }
0xc4: {  	v2 =	vld [tilespmem:$0x51C0];
	_ =	sdelay $0x6  }
0xc5: {  	v1 =	vld.idx.msk [tilespmem:v1+s13+$0x0], $0xffff  }
0xc6: {  	v3 =	vld.idx.msk [tilespmem:v2+s5+$0x0], $0xffff;
	_ =	sdelay $0x4  }
0xc7: {  	v1 =	vadd.f32 v3, v1;
	v3 =	vld [tilespmem:$0x5000];
	_ =	sdelay $0x1  }
0xc8: {  	v4 =	vmul.f32 $2.000000030e-01, v1  }
0xc9: {  	vm15 =	vge.f32 v1, $0.0e+00  }
0xca: {  	v1 =	vsel vm15, v1, v4  }
0xcb: {  	v1 =	vsub.f32 v1, v3;
	_ =	sdelay $0x1  }
0xcc: {  	v1 =	vmul.f32 $1.442695020e+00, v1;
	_ =	sdelay $0x1  }
0xcd: {  	(erf) = vpow2.f32 v1;
	_ =	sdelay $0x8  }
0xce: {  	v1 =	vpop (erf)  }
0xcf: {  	v3 =	vmov s13;
	[tilespmem:$0x5240] =	vst v1  }
0xd0: {  	s15 =	simm.s32 $0x52C0;
	[tilespmem:v2+s10+$0x0] =	vst.idx.add.f32.msk $0xffff, v1  }
0xd1: {  	v5 =	vld [tilespmem:s15+$0x30]  }
0xd2: {  	v8 =	vld [tilespmem:s15+$0x10]  }
0xd3: {  	v6 =	vld [tilespmem:s15+$0xFFFFFFC0]  }
0xd4: {  	v2 =	vld.idx.msk [tilespmem:v3+s11+$0x0], $0xffff  }
0xd5: {  	v10 =	vld [tilespmem:s15+$0xFFFFFFE0]  }
0xd6: {  	v1 =	vld [tilespmem:s15+$0xFFFFFFF0]  }
0xd7: {  	v3 =	vld [tilespmem:s15+$0x20]  }
0xd8: {  	v4 =	vld [tilespmem:s15+$0xFFFFFFD0]  }
0xd9: {  	v9 =	vmul.f32 v5, v2;
	v5 =	vld [tilespmem:s15+$0x0]  }
0xda: {  	v7 =	vmul.f32 v6, v2  }
0xdb: {  	s19 =	simm.s32 $0x52C0;
	s16 =	simm.s32 $0x1;
	v6 =	vmul.f32 v10, v2;
	v8 =	vmul.f32 v8, v2  }
.LBB2_7:
0xdc: {  	p0 =	sne.s32 s16, $0x4F  }
0xdd: {  	v4 =	vmul.f32 v4, v2;
	v3 =	vmul.f32 v3, v2;
	[tilespmem:s15+$0x30] =	vst v9;
	s19 =	sadd.s32 $0x80, s19;
	s21 =	smov.u32 s16;
	s16 =	sadd.s32 $0x1, s16  }
0xde: {  	[tilespmem:s15+$0xFFFFFFC0] =	vst v7;
	v7 =	vmul.f32 v1, v2;
	v2 =	vmul.f32 v5, v2  }
0xdf: {  	[tilespmem:s15+$0x10] =	vst v8  }
0xe0: {  	v5 =	vmov s21;
	[tilespmem:s15+$0xFFFFFFE0] =	vst v6  }
0xe1: {  	v1 =	vld [tilespmem:s19+$0xFFFFFFF0];
	[tilespmem:s15+$0xFFFFFFF0] =	vst v7  }
0xe2: {  	v6 =	vld [tilespmem:s19+$0x30];
	[tilespmem:s15+$0x0] =	vst v2  }
0xe3: {  	v8 =	vld [tilespmem:s19+$0x10];
	[tilespmem:s15+$0x20] =	vst v3  }
0xe4: {  	v7 =	vld [tilespmem:s19+$0xFFFFFFC0];
	[tilespmem:s15+$0xFFFFFFD0] =	vst v4;
	s15 =	smov.u32 s19  }
0xe5: {  	v2 =	vld.idx.msk [tilespmem:v5+s11+$0x0], $0xffff  }
0xe6: {  	v10 =	vld [tilespmem:s19+$0xFFFFFFE0]  }
0xe7: {  	v3 =	vld [tilespmem:s19+$0x20]  }
.Ltmp2:
0xe8: {  	v4 =	vld [tilespmem:s19+$0xFFFFFFD0];
	(pc) =	sbr.rel @p0 .LBB2_7-.Ltmp2, $3  }
0xe9: {  	v5 =	vld [tilespmem:s19+$0x0];
	_ =	sdelay $0x1  }
0xea: {  	v7 =	vmul.f32 v7, v2;
	v9 =	vmul.f32 v6, v2  }
0xeb: {  	v8 =	vmul.f32 v8, v2;
	v6 =	vmul.f32 v10, v2  }
0xec: {  	[tilespmem:s15+$0x30] =	vst v9  }
0xed: {  	[tilespmem:s15+$0xFFFFFFC0] =	vst v7  }
0xee: {  	v1 =	vmul.f32 v1, v2;
	[tilespmem:s15+$0x10] =	vst v8  }
0xef: {  	v3 =	vmul.f32 v3, v2;
	[tilespmem:s15+$0xFFFFFFE0] =	vst v6  }
0xf0: {  	v5 =	vmul.f32 v5, v2;
	[tilespmem:s15+$0xFFFFFFF0] =	vst v1  }
0xf1: {  	s14 =	sadd.s32 $0x1, s14;
	v1 =	vmul.f32 v4, v2;
	[tilespmem:s15+$0x20] =	vst v3  }
0xf2: {  	p0 =	sne.s32 s14, $0x7D;
	[tilespmem:s15+$0x0] =	vst v5  }
.Ltmp3:
0xf3: {  	[tilespmem:s15+$0xFFFFFFD0] =	vst v1;
	(pc) =	sbr.rel @p0 .LBB2_6-.Ltmp3, $4  }
0xf4: {  	[spmem:s1] =	stream.indirect.scatter.add.f32 [tilespmem:s31], [sflag:$0x2], $0x80, s7, s8, $0xb8;
	[tilespmem:$0x1E280] =	vst v63  }
0xf5: {  	_ =	swait.ge [sflag:s0], $0x2800  }
0xf6: {  	[sflag:s0] =	ssyncset.done $0x0  }
0xf7: {  	[sflag:s0] =	ssyncadd.s32 $0xFFFFD800  }
0xf8: {  	s13 =	simm.s32 $0x0;
	s14 =	rddreg [dreg:$0x5]  }
0xf9: {  	[hbm4b:s14+s13] =	stream.linear.scatter [tilespmem:s10], [sflag:$0x2], $0x2800, $0x38;
	[tilespmem:$0x1E280] =	vst v63  }
0xfa: {  	_ =	swait.ge [sflag:s0], $0x2800  }
0xfb: {  	[sflag:s0] =	ssyncset.done $0x0  }
0xfc: {  	s19 =	stileid.u32;
	[sflag:s0] =	ssyncadd.s32 $0xFFFFD800  }
0xfd: {  	s13 =	sshll.u32 s19, $0x6;
	[bflag:$0x0] =	sbarrier.arrive $0xFFFF  }
0xfe: {  	s21 =	sshrl.u32 s22, $0x3;
	s13 =	sor.u32 $0x1C02, s13;
	s15 =	rddreg [dreg:$0x6]  }
0xff: {  	[hbm:s15], [sflag:s13] =	dma.local [spmem:s21], $0x500  }
0x100: {  	_ =	swait.ge [sflag:s0], $0x500  }
0x101: {  	[sflag:s0] =	ssyncset.done $0x0  }
0x102: {  	s15 =	sshrl.u32 s23, $0x3;
	s16 =	rddreg [dreg:$0x7];
	[sflag:s0] =	ssyncadd.s32 $0xFFFFFB00  }
0x103: {  	[hbm:s16], [sflag:s13] =	dma.local [spmem:s15], $0x500  }
0x104: {  	_ =	swait.ge [sflag:s0], $0x500  }
0x105: {  	[sflag:s0] =	ssyncset.done $0x0  }
0x106: {  	s19 =	sshrl.u32 s24, $0x3;
	s21 =	rddreg [dreg:$0x8];
	[sflag:s0] =	ssyncadd.s32 $0xFFFFFB00  }
0x107: {  	[hbm:s21], [sflag:s13] =	dma.local [spmem:s19], $0x500  }
0x108: {  	_ =	swait.ge [sflag:s0], $0x500  }
0x109: {  	[sflag:s0] =	ssyncset.done $0x0  }
0x10a: {  	s15 =	sshrl.u32 s25, $0x3;
	s16 =	rddreg [dreg:$0x9];
	[sflag:s0] =	ssyncadd.s32 $0xFFFFFB00  }
0x10b: {  	[hbm:s16], [sflag:s13] =	dma.local [spmem:s15], $0x500  }
0x10c: {  	_ =	swait.ge [sflag:s0], $0x500  }
0x10d: {  	[sflag:s0] =	ssyncset.done $0x0  }
0x10e: {  	s19 =	sshrl.u32 s26, $0x3;
	s21 =	rddreg [dreg:$0xa];
	[sflag:s0] =	ssyncadd.s32 $0xFFFFFB00  }
0x10f: {  	[hbm:s21], [sflag:s13] =	dma.local [spmem:s19], $0x500  }
0x110: {  	_ =	swait.ge [sflag:s0], $0x500  }
0x111: {  	[sflag:s0] =	ssyncset.done $0x0  }
0x112: {  	s15 =	sshrl.u32 s28, $0x3;
	s16 =	rddreg [dreg:$0xb];
	[sflag:s0] =	ssyncadd.s32 $0xFFFFFB00  }
0x113: {  	[hbm:s16], [sflag:s13] =	dma.local [spmem:s15], $0x500  }
0x114: {  	_ =	swait.ge [sflag:s0], $0x500  }
0x115: {  	[sflag:s0] =	ssyncset.done $0x0  }
0x116: {  	s19 =	sshrl.u32 s29, $0x3;
	s21 =	rddreg [dreg:$0xc];
	[sflag:s0] =	ssyncadd.s32 $0xFFFFFB00  }
0x117: {  	[hbm:s21], [sflag:s13] =	dma.local [spmem:s19], $0x500  }
0x118: {  	_ =	swait.ge [sflag:s0], $0x500  }
0x119: {  	[sflag:s0] =	ssyncset.done $0x0  }
0x11a: {  	s16 =	sshrl.u32 s30, $0x3;
	s19 =	rddreg [dreg:$0xd];
	[sflag:s0] =	ssyncadd.s32 $0xFFFFFB00  }
0x11b: {  	[hbm:s19], [sflag:s13] =	dma.local [spmem:s16], $0x500  }
0x11c: {  	_ =	swait.ge [sflag:s0], $0x500  }
0x11d: {  	s12 =	sadd.s32 $0x1, s12;
	s21 =	rddreg [dreg:$0x11]  }
0x11e: {  	p0 =	sne.s32 s12, s21  }
.Ltmp4:
0x11f: {  	_ = 	snop;
	(pc) =	sbr.rel @p0 .LBB2_1-.Ltmp4, $3  }
0x120: {  	_ =	sdelay $0x1  }
0x121: {  	[sflag:s0] =	ssyncset.done $0x0  }
0x122: {  	[sflag:s0] =	ssyncadd.s32 $0xFFFFFB00  }
0x123: {  	_ =	sfence.sel $0x180000  }
0x124: {  	[bflag:$0x0] =	sbarrier.arrive $0xFFFF  }
0x125: {  	_ =	strace $0x90000047  }
0x126: {  	s0 =	stileid.u32;
	[bflag:$0x2] =	sbarrier.arrive $0xFFFF  }
0x127: {  	p0 =	sne.s32 s0, $0x0;
	s0 =	rddreg [dreg:$0x3]  }
0x128: {  	s0 =	sadd.s32 @!p0 $0x100000, s0  }
0x129: {  	[sflag:s0] =	ssyncadd.tile.s32 @!p0 $0x1;
	_ =	shalt  }
.Lfunc_end2:
_tile_overlayer_lowered:
.L_overlay_start_2:
0x12a: {  	(tag) =	ssettag $0x2  }
0x12b: {  	s0 =	rddreg [dreg:$0x0];
	s2 =	stileid.u32  }
0x12c: {  	s1 =	rddreg [dreg:$0x1];
	p0 =	sne.s32 s2, $0x0  }
0x12d: {  	s3 =	rddreg [dreg:$0x2];
	[bflag:$0x3] =	sbarrier.arrive $0xFFFF;
	s2 =	simm.s32 @!p0 $0x1C02  }
0x12e: {  	[timem:s3], [sflag:s2] =	dma.local @!p0 [hbm:s0], s1  }
0x12f: {  	s0 =	simm.s32 @!p0 $0x2  }
0x130: {  	_ =	swait.ge @!p0 [sflag:s0], s1  }
0x131: {  	s1 =	ssub.s32 @!p0 $0x0, s1;
	[sflag:s0] =	ssyncset.done @!p0 $0x0  }
0x132: {  	[sflag:s0] =	ssyncadd.s32 @!p0 s1  }
0x133: {  	[bflag:$0x3] =	sbarrier.arrive $0xFFFF  }
0x134: {  	_ =	shalt  }

</sc_bundles>
